<compile_context>
chip_gen: v7x
topology: tpu7x:2x2x1
jax: 0.10.2.dev20260603
libtpu: 0.0.44.dev20260713+nightly
codegen_flags: <defaults>
</compile_context>

<pallas_src>
import functools

import jax
import jax.numpy as jnp
from jax import lax
from jax.experimental import pallas as pl
from jax.experimental.pallas import tpu as pltpu
from jax.experimental.pallas import tpu_sc as plsc

TOKEN_DIM = 1024
N_ROWS = 8192
N_GROUPS = 5
OUT_COLS = N_GROUPS * TOKEN_DIM


_NC = 2
_NS = 16
_NW = _NC * _NS
_BPW = N_ROWS // _NW
_CH = 32
_NCHUNK = _BPW // _CH


def _sc_gather_build():
    mesh = plsc.VectorSubcoreMesh(core_axis_name="c", subcore_axis_name="s")

    @functools.partial(
        pl.kernel,
        mesh=mesh,
        out_type=jax.ShapeDtypeStruct((N_ROWS, OUT_COLS), jnp.float32),
        scratch_types=[
            pltpu.VMEM((_BPW,), jnp.int32),
            pltpu.VMEM((_CH, TOKEN_DIM), jnp.float32),
            pltpu.VMEM((_CH, TOKEN_DIM), jnp.float32),
            pltpu.SemaphoreType.DMA,
            pltpu.SemaphoreType.DMA,
        ],
    )
    def gather_kernel(idx_hbm, table_hbm, out_hbm, idx_v, buf0, buf1, sem0, sem1):
        wid = lax.axis_index("s") * _NC + lax.axis_index("c")
        base = wid * _BPW
        pltpu.sync_copy(idx_hbm.at[pl.ds(base, _BPW)], idx_v)

        bufs = (buf0, buf1)
        sems = (sem0, sem1)

        def start(c):
            return pltpu.async_copy(
                table_hbm.at[idx_v.at[pl.ds(c * _CH, _CH)]],
                bufs[c % 2],
                sems[c % 2],
            )

        cur = start(0)
        for c in range(_NCHUNK):
            nxt = start(c + 1) if c + 1 < _NCHUNK else None
            cur.wait()
            pltpu.sync_copy(
                bufs[c % 2],
                out_hbm.at[pl.ds(base + c * _CH, _CH),
                           pl.ds(2 * TOKEN_DIM, TOKEN_DIM)],
            )
            cur = nxt

    return gather_kernel


_SC_GATHER_CACHE = []


def _sc_gather(idx, table):
    if not _SC_GATHER_CACHE:
        _SC_GATHER_CACHE.append(_sc_gather_build())
    return _SC_GATHER_CACHE[0](idx, table)



_BR = 256
_GRID_R = N_ROWS // _BR


def _assemble_body(td, nv, sm, nvm, aliased,
                   dW1, db1, dW2, db2,
                   vW1, vb1, vW2, vb2,
                   tst, cpf, vpf, out):
    j = pl.program_id(1)

    @pl.when(j == 0)
    def _():
        t = td[...]
        h = jnp.tanh(t * dW1[...] + db1[...])
        temb = jnp.dot(h, dW2[...],
                       preferred_element_type=jnp.float32) + db2[...]
        tvalid = (t != 0.0) & (sm[...] != 0.0)
        out[...] = jnp.where(tvalid, temb, tst[...])

    @pl.when(j == 1)
    def _():
        out[...] = jnp.broadcast_to(cpf[...], (_BR, TOKEN_DIM))

    @pl.when(j == 2)
    def _():
        out[...] = jnp.broadcast_to(vpf[...], (_BR, TOKEN_DIM))

    @pl.when(j == 3)
    def _():
        v = nv[...]
        hv = jnp.tanh(v * vW1[...] + vb1[...])
        vemb = jnp.dot(hv, vW2[...],
                       preferred_element_type=jnp.float32) + vb2[...]
        vvalid = nvm[...] != 0.0
        out[...] = jnp.where(vvalid, vemb, vpf[...])


def _row_spec():
    return pl.BlockSpec((_BR, 1), lambda i, j: (i, 0))


def _full_spec(shape):
    return pl.BlockSpec(shape, lambda i, j: tuple(0 for _ in shape))


def _group_of_j(j):
    return j + (j >= 2).astype(j.dtype)


def _tc_assemble(td, nv, sm, nvm, sc_out,
                 dW1, db1, dW2, db2, vW1, vb1, vW2, vb2,
                 tst, cpf, vpf):
    return pl.pallas_call(
        _assemble_body,
        grid=(_GRID_R, 4),
        in_specs=[
            _row_spec(), _row_spec(), _row_spec(), _row_spec(),
            pl.BlockSpec(memory_space=pl.ANY),
            _full_spec((1, 32)), _full_spec((1, 32)),
            _full_spec((32, TOKEN_DIM)), _full_spec((1, TOKEN_DIM)),
            _full_spec((1, 32)), _full_spec((1, 32)),
            _full_spec((32, TOKEN_DIM)), _full_spec((1, TOKEN_DIM)),
            _full_spec((1, TOKEN_DIM)), _full_spec((1, TOKEN_DIM)),
            _full_spec((1, TOKEN_DIM)),
        ],
        out_specs=pl.BlockSpec((_BR, TOKEN_DIM),
                               lambda i, j: (i, _group_of_j(j))),
        out_shape=jax.ShapeDtypeStruct((N_ROWS, OUT_COLS), jnp.float32),
        input_output_aliases={4: 0},
    )(td, nv, sm, nvm, sc_out,
      dW1, db1, dW2, db2, vW1, vb1, vW2, vb2, tst, cpf, vpf)



def kernel(static_mask, code, numerical_value, time_delta_days,
           numerical_value_mask, mask, code_table,
           date_W1, date_b1, date_W2, date_b2,
           val_W1, val_b1, val_W2, val_b2,
           ts_token, code_prefix, val_prefix):
    n = code.shape[0]
    sc_out = _sc_gather(code.astype(jnp.int32), code_table)

    out = _tc_assemble(
        time_delta_days.reshape(n, 1),
        numerical_value.reshape(n, 1),
        static_mask.astype(jnp.float32).reshape(n, 1),
        numerical_value_mask.astype(jnp.float32).reshape(n, 1),
        sc_out,
        date_W1, date_b1.reshape(1, 32), date_W2, date_b2.reshape(1, TOKEN_DIM),
        val_W1, val_b1.reshape(1, 32), val_W2, val_b2.reshape(1, TOKEN_DIM),
        ts_token.reshape(1, TOKEN_DIM),
        code_prefix.reshape(1, TOKEN_DIM),
        val_prefix.reshape(1, TOKEN_DIM),
    )
    return out

# --- scband reference (transcript-rebuilt; emitter-appended) ---
"""Pipeline reference for scband-triplet-prompt-encoder-15642270892541 (READ-ONLY COPY).

The authoritative reference and input builder live on the scoring server;
editing this copy changes nothing except your own understanding.
"""

import jax, jax.numpy as jnp
import numpy as np

TOKEN_DIM = 1024
HID = 32
VOCAB = 100000
N = 8192


def setup_inputs(seed: int = 0) -> dict:
    key = jax.random.key(seed)
    ks = jax.random.split(key, 16)
    inp = {
        "static_mask": jnp.ones((N,), dtype=bool),
        "code": jax.random.randint(ks[0], (N,), 0, VOCAB),
        "numerical_value": jax.random.normal(ks[1], (N,), dtype=jnp.float32),
        # strictly positive so every triplet has a valid time token (required for
        # uniform sequence length, as torch.stack in the original demands)
        "time_delta_days": jax.random.uniform(ks[2], (N,), dtype=jnp.float32) + 0.1,
        "numerical_value_mask": jnp.ones((N,), dtype=bool),
        "mask": jnp.ones((N,), dtype=bool),
        "code_table": jax.random.normal(ks[3], (VOCAB, TOKEN_DIM), dtype=jnp.float32) * 0.02,
        "date_W1": jax.random.normal(ks[4], (1, HID), dtype=jnp.float32) * 0.5,
        "date_b1": jnp.zeros((HID,), dtype=jnp.float32),
        "date_W2": jax.random.normal(ks[5], (HID, TOKEN_DIM), dtype=jnp.float32) * 0.1,
        "date_b2": jnp.zeros((TOKEN_DIM,), dtype=jnp.float32),
        "val_W1": jax.random.normal(ks[6], (1, HID), dtype=jnp.float32) * 0.5,
        "val_b1": jnp.zeros((HID,), dtype=jnp.float32),
        "val_W2": jax.random.normal(ks[7], (HID, TOKEN_DIM), dtype=jnp.float32) * 0.1,
        "val_b2": jnp.zeros((TOKEN_DIM,), dtype=jnp.float32),
        "ts_token": jax.random.normal(ks[8], (TOKEN_DIM,), dtype=jnp.float32),
        "code_prefix": jax.random.normal(ks[9], (TOKEN_DIM,), dtype=jnp.float32),
        "val_prefix": jax.random.normal(ks[10], (TOKEN_DIM,), dtype=jnp.float32),
    }
    return inp


def _cve(x, W1, b1, W2, b2):
    # continuous value embedder: scalar -> token_dim via 2-layer tanh MLP
    h = jnp.tanh(x[:, None] @ W1 + b1)
    return h @ W2 + b2


def reference(static_mask, code, numerical_value, time_delta_days,
              numerical_value_mask, mask, code_table,
              date_W1, date_b1, date_W2, date_b2,
              val_W1, val_b1, val_W2, val_b2,
              ts_token, code_prefix, val_prefix):
    time_valid_mask = time_delta_days != 0.0
    value_valid_mask = numerical_value_mask

    time_emb = _cve(time_delta_days, date_W1, date_b1, date_W2, date_b2)  # [N, D]
    code_emb = jnp.take(code_table, code, axis=0)                         # [N, D] gather
    val_emb = _cve(numerical_value, val_W1, val_b1, val_W2, val_b2)       # [N, D]

    ts_tokens = jnp.where((static_mask & time_valid_mask)[:, None], time_emb,
                          ts_token[None, :])
    val_tokens = jnp.where(value_valid_mask[:, None], val_emb, val_prefix[None, :])

    n = code.shape[0]
    cp = jnp.broadcast_to(code_prefix[None, :], (n, TOKEN_DIM))
    vp = jnp.broadcast_to(val_prefix[None, :], (n, TOKEN_DIM))
    # every triplet is [ts, code_prefix, code, val_prefix, val]
    # (all time/value slots valid by construction -> uniform length, matching
    # the torch.stack requirement of the original loop)
    embedding = jnp.concatenate([ts_tokens, cp, code_emb, vp, val_tokens], axis=-1)
    return embedding

if __name__ == "__main__":
    import jax
    _d = setup_inputs()
    print(jax.jit(kernel)(*tuple(_d.values())))

</pallas_src>

<mosaic_0001>
#map = affine_map<(d0, d1) -> (0)>
#map1 = affine_map<(d0, d1) -> (0, 0)>
module attributes {stable_mosaic.version = 14 : i64} {
  func.func @gather_kernel(%arg0: i32, %arg1: i32, %arg2: memref<8192xi32, #tpu.memory_space<hbm>>, %arg3: memref<100000x1024xf32, #tpu.memory_space<hbm>>, %arg4: memref<8192x5120xf32, #tpu.memory_space<hbm>>, %arg5: memref<256xi32, #tpu.memory_space<vmem>>, %arg6: memref<32x1024xf32, #tpu.memory_space<vmem>>, %arg7: memref<32x1024xf32, #tpu.memory_space<vmem>>, %arg8: memref<!tpu.dma_semaphore, #tpu.memory_space<semaphore_mem>>, %arg9: memref<!tpu.dma_semaphore, #tpu.memory_space<semaphore_mem>>) attributes {dimension_semantics = [#tpu.dimension_semantics<core_parallel>, #tpu.dimension_semantics<subcore_parallel>], iteration_bounds = array<i64: 2, 16>, scalar_prefetch = 0 : i64, scratch_operands = 5 : i64, tpu.core_type = #tpu.core_type<sc_vector_subcore>, window_params = [{transform_indices = #map}, {transform_indices = #map1}, {transform_indices = #map1}]} {
    %mul3A = arith.constant 2 : i32
    %mul3A_0 = arith.muli %arg1, %mul3A : i32
    %add3A = arith.addi %mul3A_0, %arg0 : i32
    %mul3A_1 = arith.constant 256 : i32
    %mul3A_2 = arith.muli %add3A, %mul3A_1 : i32
    "tpu.region"() ({
      %run_scoped3A = tpu.sem_alloc : memref<!tpu.dma_semaphore, #tpu.memory_space<semaphore_mem>>
      %dma_start3A_97 = tpu.memref_slice %arg2[%mul3A_2] : memref<8192xi32, #tpu.memory_space<hbm>> -> memref<256xi32, #tpu.memory_space<hbm>>
      %dma_start3A_98 = tpu.memref_slice %arg2[%mul3A_2] : memref<8192xi32, #tpu.memory_space<hbm>> -> memref<256xi32, #tpu.memory_space<hbm>>
      tpu.enqueue_dma source(%dma_start3A_98 : memref<256xi32, #tpu.memory_space<hbm>>) target(%arg5 : memref<256xi32, #tpu.memory_space<vmem>>) target_semaphore(%run_scoped3A : memref<!tpu.dma_semaphore, #tpu.memory_space<semaphore_mem>>)
      %dma_wait3A_99 = tpu.memref_slice %arg2[%mul3A_2] : memref<8192xi32, #tpu.memory_space<hbm>> -> memref<256xi32, #tpu.memory_space<hbm>>
      %dma_wait3A_100 = tpu.memref_slice %arg2[%mul3A_2] : memref<8192xi32, #tpu.memory_space<hbm>> -> memref<256xi32, #tpu.memory_space<hbm>>
      tpu.wait_dma2 semaphore(%run_scoped3A : memref<!tpu.dma_semaphore, #tpu.memory_space<semaphore_mem>>) src(%dma_wait3A_100 : memref<256xi32, #tpu.memory_space<hbm>>) dst(%arg5 : memref<256xi32, #tpu.memory_space<vmem>>)
      tpu.yield
    }) : () -> ()
    %dma_start3A = arith.constant 0 : i32
    %dma_start3A_3 = tpu.memref_slice %arg5[%dma_start3A] : memref<256xi32, #tpu.memory_space<vmem>> -> memref<32xi32, #tpu.memory_space<vmem>>
    %dma_start3A_4 = arith.constant 0 : i32
    %dma_start3A_5 = arith.constant 0 : i32
    %dma_start3A_6 = tpu.memref_slice %arg3[%dma_start3A_4, %dma_start3A_5] : memref<100000x1024xf32, #tpu.memory_space<hbm>> -> memref<100000x1024xf32, #tpu.memory_space<hbm>>
    tpu.enqueue_indirect_dma source(%dma_start3A_6 : memref<100000x1024xf32, #tpu.memory_space<hbm>>) target(%arg6 : memref<32x1024xf32, #tpu.memory_space<vmem>>) offsets(%dma_start3A_3 : memref<32xi32, #tpu.memory_space<vmem>>) semaphore(%arg8 : memref<!tpu.dma_semaphore, #tpu.memory_space<semaphore_mem>>)
    %dma_start3A_7 = arith.constant 32 : i32
    %dma_start3A_8 = tpu.memref_slice %arg5[%dma_start3A_7] : memref<256xi32, #tpu.memory_space<vmem>> -> memref<32xi32, #tpu.memory_space<vmem>>
    %dma_start3A_9 = arith.constant 0 : i32
    %dma_start3A_10 = arith.constant 0 : i32
    %dma_start3A_11 = tpu.memref_slice %arg3[%dma_start3A_9, %dma_start3A_10] : memref<100000x1024xf32, #tpu.memory_space<hbm>> -> memref<100000x1024xf32, #tpu.memory_space<hbm>>
    tpu.enqueue_indirect_dma source(%dma_start3A_11 : memref<100000x1024xf32, #tpu.memory_space<hbm>>) target(%arg7 : memref<32x1024xf32, #tpu.memory_space<vmem>>) offsets(%dma_start3A_8 : memref<32xi32, #tpu.memory_space<vmem>>) semaphore(%arg9 : memref<!tpu.dma_semaphore, #tpu.memory_space<semaphore_mem>>)
    %dma_wait3A = arith.constant 0 : i32
    %dma_wait3A_12 = tpu.memref_slice %arg5[%dma_wait3A] : memref<256xi32, #tpu.memory_space<vmem>> -> memref<32xi32, #tpu.memory_space<vmem>>
    %dma_wait3A_13 = arith.constant 0 : i32
    %dma_wait3A_14 = arith.constant 0 : i32
    %dma_wait3A_15 = tpu.memref_slice %arg3[%dma_wait3A_13, %dma_wait3A_14] : memref<100000x1024xf32, #tpu.memory_space<hbm>> -> memref<100000x1024xf32, #tpu.memory_space<hbm>>
    tpu.wait_indirect_dma semaphore(%arg8 : memref<!tpu.dma_semaphore, #tpu.memory_space<semaphore_mem>>) src(%dma_wait3A_15 : memref<100000x1024xf32, #tpu.memory_space<hbm>>) dst(%arg6 : memref<32x1024xf32, #tpu.memory_space<vmem>>)
    %add3A_16 = arith.constant 0 : i32
    %add3A_17 = arith.addi %mul3A_2, %add3A_16 : i32
    "tpu.region"() ({
      %run_scoped3A = tpu.sem_alloc : memref<!tpu.dma_semaphore, #tpu.memory_space<semaphore_mem>>
      %dma_start3A_97 = arith.constant 2048 : i32
      %dma_start3A_98 = tpu.memref_slice %arg4[%add3A_17, %dma_start3A_97] : memref<8192x5120xf32, #tpu.memory_space<hbm>> -> memref<32x1024xf32, #tpu.memory_space<hbm>>
      %dma_start3A_99 = arith.constant 2048 : i32
      %dma_start3A_100 = tpu.memref_slice %arg4[%add3A_17, %dma_start3A_99] : memref<8192x5120xf32, #tpu.memory_space<hbm>> -> memref<32x1024xf32, #tpu.memory_space<hbm>>
      tpu.enqueue_dma source(%arg6 : memref<32x1024xf32, #tpu.memory_space<vmem>>) target(%dma_start3A_100 : memref<32x1024xf32, #tpu.memory_space<hbm>>) target_semaphore(%run_scoped3A : memref<!tpu.dma_semaphore, #tpu.memory_space<semaphore_mem>>)
      %dma_wait3A_101 = arith.constant 2048 : i32
      %dma_wait3A_102 = tpu.memref_slice %arg4[%add3A_17, %dma_wait3A_101] : memref<8192x5120xf32, #tpu.memory_space<hbm>> -> memref<32x1024xf32, #tpu.memory_space<hbm>>
      %dma_wait3A_103 = arith.constant 2048 : i32
      %dma_wait3A_104 = tpu.memref_slice %arg4[%add3A_17, %dma_wait3A_103] : memref<8192x5120xf32, #tpu.memory_space<hbm>> -> memref<32x1024xf32, #tpu.memory_space<hbm>>
      tpu.wait_dma2 semaphore(%run_scoped3A : memref<!tpu.dma_semaphore, #tpu.memory_space<semaphore_mem>>) src(%arg6 : memref<32x1024xf32, #tpu.memory_space<vmem>>) dst(%dma_wait3A_104 : memref<32x1024xf32, #tpu.memory_space<hbm>>)
      tpu.yield
    }) : () -> ()
    %dma_start3A_18 = arith.constant 64 : i32
    %dma_start3A_19 = tpu.memref_slice %arg5[%dma_start3A_18] : memref<256xi32, #tpu.memory_space<vmem>> -> memref<32xi32, #tpu.memory_space<vmem>>
    %dma_start3A_20 = arith.constant 0 : i32
    %dma_start3A_21 = arith.constant 0 : i32
    %dma_start3A_22 = tpu.memref_slice %arg3[%dma_start3A_20, %dma_start3A_21] : memref<100000x1024xf32, #tpu.memory_space<hbm>> -> memref<100000x1024xf32, #tpu.memory_space<hbm>>
    tpu.enqueue_indirect_dma source(%dma_start3A_22 : memref<100000x1024xf32, #tpu.memory_space<hbm>>) target(%arg6 : memref<32x1024xf32, #tpu.memory_space<vmem>>) offsets(%dma_start3A_19 : memref<32xi32, #tpu.memory_space<vmem>>) semaphore(%arg8 : memref<!tpu.dma_semaphore, #tpu.memory_space<semaphore_mem>>)
    %dma_wait3A_23 = arith.constant 32 : i32
    %dma_wait3A_24 = tpu.memref_slice %arg5[%dma_wait3A_23] : memref<256xi32, #tpu.memory_space<vmem>> -> memref<32xi32, #tpu.memory_space<vmem>>
    %dma_wait3A_25 = arith.constant 0 : i32
    %dma_wait3A_26 = arith.constant 0 : i32
    %dma_wait3A_27 = tpu.memref_slice %arg3[%dma_wait3A_25, %dma_wait3A_26] : memref<100000x1024xf32, #tpu.memory_space<hbm>> -> memref<100000x1024xf32, #tpu.memory_space<hbm>>
    tpu.wait_indirect_dma semaphore(%arg9 : memref<!tpu.dma_semaphore, #tpu.memory_space<semaphore_mem>>) src(%dma_wait3A_27 : memref<100000x1024xf32, #tpu.memory_space<hbm>>) dst(%arg7 : memref<32x1024xf32, #tpu.memory_space<vmem>>)
    %add3A_28 = arith.constant 32 : i32
    %add3A_29 = arith.addi %mul3A_2, %add3A_28 : i32
    "tpu.region"() ({
      %run_scoped3A = tpu.sem_alloc : memref<!tpu.dma_semaphore, #tpu.memory_space<semaphore_mem>>
      %dma_start3A_97 = arith.constant 2048 : i32
      %dma_start3A_98 = tpu.memref_slice %arg4[%add3A_29, %dma_start3A_97] : memref<8192x5120xf32, #tpu.memory_space<hbm>> -> memref<32x1024xf32, #tpu.memory_space<hbm>>
      %dma_start3A_99 = arith.constant 2048 : i32
      %dma_start3A_100 = tpu.memref_slice %arg4[%add3A_29, %dma_start3A_99] : memref<8192x5120xf32, #tpu.memory_space<hbm>> -> memref<32x1024xf32, #tpu.memory_space<hbm>>
      tpu.enqueue_dma source(%arg7 : memref<32x1024xf32, #tpu.memory_space<vmem>>) target(%dma_start3A_100 : memref<32x1024xf32, #tpu.memory_space<hbm>>) target_semaphore(%run_scoped3A : memref<!tpu.dma_semaphore, #tpu.memory_space<semaphore_mem>>)
      %dma_wait3A_101 = arith.constant 2048 : i32
      %dma_wait3A_102 = tpu.memref_slice %arg4[%add3A_29, %dma_wait3A_101] : memref<8192x5120xf32, #tpu.memory_space<hbm>> -> memref<32x1024xf32, #tpu.memory_space<hbm>>
      %dma_wait3A_103 = arith.constant 2048 : i32
      %dma_wait3A_104 = tpu.memref_slice %arg4[%add3A_29, %dma_wait3A_103] : memref<8192x5120xf32, #tpu.memory_space<hbm>> -> memref<32x1024xf32, #tpu.memory_space<hbm>>
      tpu.wait_dma2 semaphore(%run_scoped3A : memref<!tpu.dma_semaphore, #tpu.memory_space<semaphore_mem>>) src(%arg7 : memref<32x1024xf32, #tpu.memory_space<vmem>>) dst(%dma_wait3A_104 : memref<32x1024xf32, #tpu.memory_space<hbm>>)
      tpu.yield
    }) : () -> ()
    %dma_start3A_30 = arith.constant 96 : i32
    %dma_start3A_31 = tpu.memref_slice %arg5[%dma_start3A_30] : memref<256xi32, #tpu.memory_space<vmem>> -> memref<32xi32, #tpu.memory_space<vmem>>
    %dma_start3A_32 = arith.constant 0 : i32
    %dma_start3A_33 = arith.constant 0 : i32
    %dma_start3A_34 = tpu.memref_slice %arg3[%dma_start3A_32, %dma_start3A_33] : memref<100000x1024xf32, #tpu.memory_space<hbm>> -> memref<100000x1024xf32, #tpu.memory_space<hbm>>
    tpu.enqueue_indirect_dma source(%dma_start3A_34 : memref<100000x1024xf32, #tpu.memory_space<hbm>>) target(%arg7 : memref<32x1024xf32, #tpu.memory_space<vmem>>) offsets(%dma_start3A_31 : memref<32xi32, #tpu.memory_space<vmem>>) semaphore(%arg9 : memref<!tpu.dma_semaphore, #tpu.memory_space<semaphore_mem>>)
    %dma_wait3A_35 = arith.constant 64 : i32
    %dma_wait3A_36 = tpu.memref_slice %arg5[%dma_wait3A_35] : memref<256xi32, #tpu.memory_space<vmem>> -> memref<32xi32, #tpu.memory_space<vmem>>
    %dma_wait3A_37 = arith.constant 0 : i32
    %dma_wait3A_38 = arith.constant 0 : i32
    %dma_wait3A_39 = tpu.memref_slice %arg3[%dma_wait3A_37, %dma_wait3A_38] : memref<100000x1024xf32, #tpu.memory_space<hbm>> -> memref<100000x1024xf32, #tpu.memory_space<hbm>>
    tpu.wait_indirect_dma semaphore(%arg8 : memref<!tpu.dma_semaphore, #tpu.memory_space<semaphore_mem>>) src(%dma_wait3A_39 : memref<100000x1024xf32, #tpu.memory_space<hbm>>) dst(%arg6 : memref<32x1024xf32, #tpu.memory_space<vmem>>)
    %add3A_40 = arith.constant 64 : i32
    %add3A_41 = arith.addi %mul3A_2, %add3A_40 : i32
    "tpu.region"() ({
      %run_scoped3A = tpu.sem_alloc : memref<!tpu.dma_semaphore, #tpu.memory_space<semaphore_mem>>
      %dma_start3A_97 = arith.constant 2048 : i32
      %dma_start3A_98 = tpu.memref_slice %arg4[%add3A_41, %dma_start3A_97] : memref<8192x5120xf32, #tpu.memory_space<hbm>> -> memref<32x1024xf32, #tpu.memory_space<hbm>>
      %dma_start3A_99 = arith.constant 2048 : i32
      %dma_start3A_100 = tpu.memref_slice %arg4[%add3A_41, %dma_start3A_99] : memref<8192x5120xf32, #tpu.memory_space<hbm>> -> memref<32x1024xf32, #tpu.memory_space<hbm>>
      tpu.enqueue_dma source(%arg6 : memref<32x1024xf32, #tpu.memory_space<vmem>>) target(%dma_start3A_100 : memref<32x1024xf32, #tpu.memory_space<hbm>>) target_semaphore(%run_scoped3A : memref<!tpu.dma_semaphore, #tpu.memory_space<semaphore_mem>>)
      %dma_wait3A_101 = arith.constant 2048 : i32
      %dma_wait3A_102 = tpu.memref_slice %arg4[%add3A_41, %dma_wait3A_101] : memref<8192x5120xf32, #tpu.memory_space<hbm>> -> memref<32x1024xf32, #tpu.memory_space<hbm>>
      %dma_wait3A_103 = arith.constant 2048 : i32
      %dma_wait3A_104 = tpu.memref_slice %arg4[%add3A_41, %dma_wait3A_103] : memref<8192x5120xf32, #tpu.memory_space<hbm>> -> memref<32x1024xf32, #tpu.memory_space<hbm>>
      tpu.wait_dma2 semaphore(%run_scoped3A : memref<!tpu.dma_semaphore, #tpu.memory_space<semaphore_mem>>) src(%arg6 : memref<32x1024xf32, #tpu.memory_space<vmem>>) dst(%dma_wait3A_104 : memref<32x1024xf32, #tpu.memory_space<hbm>>)
      tpu.yield
    }) : () -> ()
    %dma_start3A_42 = arith.constant 128 : i32
    %dma_start3A_43 = tpu.memref_slice %arg5[%dma_start3A_42] : memref<256xi32, #tpu.memory_space<vmem>> -> memref<32xi32, #tpu.memory_space<vmem>>
    %dma_start3A_44 = arith.constant 0 : i32
    %dma_start3A_45 = arith.constant 0 : i32
    %dma_start3A_46 = tpu.memref_slice %arg3[%dma_start3A_44, %dma_start3A_45] : memref<100000x1024xf32, #tpu.memory_space<hbm>> -> memref<100000x1024xf32, #tpu.memory_space<hbm>>
    tpu.enqueue_indirect_dma source(%dma_start3A_46 : memref<100000x1024xf32, #tpu.memory_space<hbm>>) target(%arg6 : memref<32x1024xf32, #tpu.memory_space<vmem>>) offsets(%dma_start3A_43 : memref<32xi32, #tpu.memory_space<vmem>>) semaphore(%arg8 : memref<!tpu.dma_semaphore, #tpu.memory_space<semaphore_mem>>)
    %dma_wait3A_47 = arith.constant 96 : i32
    %dma_wait3A_48 = tpu.memref_slice %arg5[%dma_wait3A_47] : memref<256xi32, #tpu.memory_space<vmem>> -> memref<32xi32, #tpu.memory_space<vmem>>
    %dma_wait3A_49 = arith.constant 0 : i32
    %dma_wait3A_50 = arith.constant 0 : i32
    %dma_wait3A_51 = tpu.memref_slice %arg3[%dma_wait3A_49, %dma_wait3A_50] : memref<100000x1024xf32, #tpu.memory_space<hbm>> -> memref<100000x1024xf32, #tpu.memory_space<hbm>>
    tpu.wait_indirect_dma semaphore(%arg9 : memref<!tpu.dma_semaphore, #tpu.memory_space<semaphore_mem>>) src(%dma_wait3A_51 : memref<100000x1024xf32, #tpu.memory_space<hbm>>) dst(%arg7 : memref<32x1024xf32, #tpu.memory_space<vmem>>)
    %add3A_52 = arith.constant 96 : i32
    %add3A_53 = arith.addi %mul3A_2, %add3A_52 : i32
    "tpu.region"() ({
      %run_scoped3A = tpu.sem_alloc : memref<!tpu.dma_semaphore, #tpu.memory_space<semaphore_mem>>
      %dma_start3A_97 = arith.constant 2048 : i32
      %dma_start3A_98 = tpu.memref_slice %arg4[%add3A_53, %dma_start3A_97] : memref<8192x5120xf32, #tpu.memory_space<hbm>> -> memref<32x1024xf32, #tpu.memory_space<hbm>>
      %dma_start3A_99 = arith.constant 2048 : i32
      %dma_start3A_100 = tpu.memref_slice %arg4[%add3A_53, %dma_start3A_99] : memref<8192x5120xf32, #tpu.memory_space<hbm>> -> memref<32x1024xf32, #tpu.memory_space<hbm>>
      tpu.enqueue_dma source(%arg7 : memref<32x1024xf32, #tpu.memory_space<vmem>>) target(%dma_start3A_100 : memref<32x1024xf32, #tpu.memory_space<hbm>>) target_semaphore(%run_scoped3A : memref<!tpu.dma_semaphore, #tpu.memory_space<semaphore_mem>>)
      %dma_wait3A_101 = arith.constant 2048 : i32
      %dma_wait3A_102 = tpu.memref_slice %arg4[%add3A_53, %dma_wait3A_101] : memref<8192x5120xf32, #tpu.memory_space<hbm>> -> memref<32x1024xf32, #tpu.memory_space<hbm>>
      %dma_wait3A_103 = arith.constant 2048 : i32
      %dma_wait3A_104 = tpu.memref_slice %arg4[%add3A_53, %dma_wait3A_103] : memref<8192x5120xf32, #tpu.memory_space<hbm>> -> memref<32x1024xf32, #tpu.memory_space<hbm>>
      tpu.wait_dma2 semaphore(%run_scoped3A : memref<!tpu.dma_semaphore, #tpu.memory_space<semaphore_mem>>) src(%arg7 : memref<32x1024xf32, #tpu.memory_space<vmem>>) dst(%dma_wait3A_104 : memref<32x1024xf32, #tpu.memory_space<hbm>>)
      tpu.yield
    }) : () -> ()
    %dma_start3A_54 = arith.constant 160 : i32
    %dma_start3A_55 = tpu.memref_slice %arg5[%dma_start3A_54] : memref<256xi32, #tpu.memory_space<vmem>> -> memref<32xi32, #tpu.memory_space<vmem>>
    %dma_start3A_56 = arith.constant 0 : i32
    %dma_start3A_57 = arith.constant 0 : i32
    %dma_start3A_58 = tpu.memref_slice %arg3[%dma_start3A_56, %dma_start3A_57] : memref<100000x1024xf32, #tpu.memory_space<hbm>> -> memref<100000x1024xf32, #tpu.memory_space<hbm>>
    tpu.enqueue_indirect_dma source(%dma_start3A_58 : memref<100000x1024xf32, #tpu.memory_space<hbm>>) target(%arg7 : memref<32x1024xf32, #tpu.memory_space<vmem>>) offsets(%dma_start3A_55 : memref<32xi32, #tpu.memory_space<vmem>>) semaphore(%arg9 : memref<!tpu.dma_semaphore, #tpu.memory_space<semaphore_mem>>)
    %dma_wait3A_59 = arith.constant 128 : i32
    %dma_wait3A_60 = tpu.memref_slice %arg5[%dma_wait3A_59] : memref<256xi32, #tpu.memory_space<vmem>> -> memref<32xi32, #tpu.memory_space<vmem>>
    %dma_wait3A_61 = arith.constant 0 : i32
    %dma_wait3A_62 = arith.constant 0 : i32
    %dma_wait3A_63 = tpu.memref_slice %arg3[%dma_wait3A_61, %dma_wait3A_62] : memref<100000x1024xf32, #tpu.memory_space<hbm>> -> memref<100000x1024xf32, #tpu.memory_space<hbm>>
    tpu.wait_indirect_dma semaphore(%arg8 : memref<!tpu.dma_semaphore, #tpu.memory_space<semaphore_mem>>) src(%dma_wait3A_63 : memref<100000x1024xf32, #tpu.memory_space<hbm>>) dst(%arg6 : memref<32x1024xf32, #tpu.memory_space<vmem>>)
    %add3A_64 = arith.constant 128 : i32
    %add3A_65 = arith.addi %mul3A_2, %add3A_64 : i32
    "tpu.region"() ({
      %run_scoped3A = tpu.sem_alloc : memref<!tpu.dma_semaphore, #tpu.memory_space<semaphore_mem>>
      %dma_start3A_97 = arith.constant 2048 : i32
      %dma_start3A_98 = tpu.memref_slice %arg4[%add3A_65, %dma_start3A_97] : memref<8192x5120xf32, #tpu.memory_space<hbm>> -> memref<32x1024xf32, #tpu.memory_space<hbm>>
      %dma_start3A_99 = arith.constant 2048 : i32
      %dma_start3A_100 = tpu.memref_slice %arg4[%add3A_65, %dma_start3A_99] : memref<8192x5120xf32, #tpu.memory_space<hbm>> -> memref<32x1024xf32, #tpu.memory_space<hbm>>
      tpu.enqueue_dma source(%arg6 : memref<32x1024xf32, #tpu.memory_space<vmem>>) target(%dma_start3A_100 : memref<32x1024xf32, #tpu.memory_space<hbm>>) target_semaphore(%run_scoped3A : memref<!tpu.dma_semaphore, #tpu.memory_space<semaphore_mem>>)
      %dma_wait3A_101 = arith.constant 2048 : i32
      %dma_wait3A_102 = tpu.memref_slice %arg4[%add3A_65, %dma_wait3A_101] : memref<8192x5120xf32, #tpu.memory_space<hbm>> -> memref<32x1024xf32, #tpu.memory_space<hbm>>
      %dma_wait3A_103 = arith.constant 2048 : i32
      %dma_wait3A_104 = tpu.memref_slice %arg4[%add3A_65, %dma_wait3A_103] : memref<8192x5120xf32, #tpu.memory_space<hbm>> -> memref<32x1024xf32, #tpu.memory_space<hbm>>
      tpu.wait_dma2 semaphore(%run_scoped3A : memref<!tpu.dma_semaphore, #tpu.memory_space<semaphore_mem>>) src(%arg6 : memref<32x1024xf32, #tpu.memory_space<vmem>>) dst(%dma_wait3A_104 : memref<32x1024xf32, #tpu.memory_space<hbm>>)
      tpu.yield
    }) : () -> ()
    %dma_start3A_66 = arith.constant 192 : i32
    %dma_start3A_67 = tpu.memref_slice %arg5[%dma_start3A_66] : memref<256xi32, #tpu.memory_space<vmem>> -> memref<32xi32, #tpu.memory_space<vmem>>
    %dma_start3A_68 = arith.constant 0 : i32
    %dma_start3A_69 = arith.constant 0 : i32
    %dma_start3A_70 = tpu.memref_slice %arg3[%dma_start3A_68, %dma_start3A_69] : memref<100000x1024xf32, #tpu.memory_space<hbm>> -> memref<100000x1024xf32, #tpu.memory_space<hbm>>
    tpu.enqueue_indirect_dma source(%dma_start3A_70 : memref<100000x1024xf32, #tpu.memory_space<hbm>>) target(%arg6 : memref<32x1024xf32, #tpu.memory_space<vmem>>) offsets(%dma_start3A_67 : memref<32xi32, #tpu.memory_space<vmem>>) semaphore(%arg8 : memref<!tpu.dma_semaphore, #tpu.memory_space<semaphore_mem>>)
    %dma_wait3A_71 = arith.constant 160 : i32
    %dma_wait3A_72 = tpu.memref_slice %arg5[%dma_wait3A_71] : memref<256xi32, #tpu.memory_space<vmem>> -> memref<32xi32, #tpu.memory_space<vmem>>
    %dma_wait3A_73 = arith.constant 0 : i32
    %dma_wait3A_74 = arith.constant 0 : i32
    %dma_wait3A_75 = tpu.memref_slice %arg3[%dma_wait3A_73, %dma_wait3A_74] : memref<100000x1024xf32, #tpu.memory_space<hbm>> -> memref<100000x1024xf32, #tpu.memory_space<hbm>>
    tpu.wait_indirect_dma semaphore(%arg9 : memref<!tpu.dma_semaphore, #tpu.memory_space<semaphore_mem>>) src(%dma_wait3A_75 : memref<100000x1024xf32, #tpu.memory_space<hbm>>) dst(%arg7 : memref<32x1024xf32, #tpu.memory_space<vmem>>)
    %add3A_76 = arith.constant 160 : i32
    %add3A_77 = arith.addi %mul3A_2, %add3A_76 : i32
    "tpu.region"() ({
      %run_scoped3A = tpu.sem_alloc : memref<!tpu.dma_semaphore, #tpu.memory_space<semaphore_mem>>
      %dma_start3A_97 = arith.constant 2048 : i32
      %dma_start3A_98 = tpu.memref_slice %arg4[%add3A_77, %dma_start3A_97] : memref<8192x5120xf32, #tpu.memory_space<hbm>> -> memref<32x1024xf32, #tpu.memory_space<hbm>>
      %dma_start3A_99 = arith.constant 2048 : i32
      %dma_start3A_100 = tpu.memref_slice %arg4[%add3A_77, %dma_start3A_99] : memref<8192x5120xf32, #tpu.memory_space<hbm>> -> memref<32x1024xf32, #tpu.memory_space<hbm>>
      tpu.enqueue_dma source(%arg7 : memref<32x1024xf32, #tpu.memory_space<vmem>>) target(%dma_start3A_100 : memref<32x1024xf32, #tpu.memory_space<hbm>>) target_semaphore(%run_scoped3A : memref<!tpu.dma_semaphore, #tpu.memory_space<semaphore_mem>>)
      %dma_wait3A_101 = arith.constant 2048 : i32
      %dma_wait3A_102 = tpu.memref_slice %arg4[%add3A_77, %dma_wait3A_101] : memref<8192x5120xf32, #tpu.memory_space<hbm>> -> memref<32x1024xf32, #tpu.memory_space<hbm>>
      %dma_wait3A_103 = arith.constant 2048 : i32
      %dma_wait3A_104 = tpu.memref_slice %arg4[%add3A_77, %dma_wait3A_103] : memref<8192x5120xf32, #tpu.memory_space<hbm>> -> memref<32x1024xf32, #tpu.memory_space<hbm>>
      tpu.wait_dma2 semaphore(%run_scoped3A : memref<!tpu.dma_semaphore, #tpu.memory_space<semaphore_mem>>) src(%arg7 : memref<32x1024xf32, #tpu.memory_space<vmem>>) dst(%dma_wait3A_104 : memref<32x1024xf32, #tpu.memory_space<hbm>>)
      tpu.yield
    }) : () -> ()
    %dma_start3A_78 = arith.constant 224 : i32
    %dma_start3A_79 = tpu.memref_slice %arg5[%dma_start3A_78] : memref<256xi32, #tpu.memory_space<vmem>> -> memref<32xi32, #tpu.memory_space<vmem>>
    %dma_start3A_80 = arith.constant 0 : i32
    %dma_start3A_81 = arith.constant 0 : i32
    %dma_start3A_82 = tpu.memref_slice %arg3[%dma_start3A_80, %dma_start3A_81] : memref<100000x1024xf32, #tpu.memory_space<hbm>> -> memref<100000x1024xf32, #tpu.memory_space<hbm>>
    tpu.enqueue_indirect_dma source(%dma_start3A_82 : memref<100000x1024xf32, #tpu.memory_space<hbm>>) target(%arg7 : memref<32x1024xf32, #tpu.memory_space<vmem>>) offsets(%dma_start3A_79 : memref<32xi32, #tpu.memory_space<vmem>>) semaphore(%arg9 : memref<!tpu.dma_semaphore, #tpu.memory_space<semaphore_mem>>)
    %dma_wait3A_83 = arith.constant 192 : i32
    %dma_wait3A_84 = tpu.memref_slice %arg5[%dma_wait3A_83] : memref<256xi32, #tpu.memory_space<vmem>> -> memref<32xi32, #tpu.memory_space<vmem>>
    %dma_wait3A_85 = arith.constant 0 : i32
    %dma_wait3A_86 = arith.constant 0 : i32
    %dma_wait3A_87 = tpu.memref_slice %arg3[%dma_wait3A_85, %dma_wait3A_86] : memref<100000x1024xf32, #tpu.memory_space<hbm>> -> memref<100000x1024xf32, #tpu.memory_space<hbm>>
    tpu.wait_indirect_dma semaphore(%arg8 : memref<!tpu.dma_semaphore, #tpu.memory_space<semaphore_mem>>) src(%dma_wait3A_87 : memref<100000x1024xf32, #tpu.memory_space<hbm>>) dst(%arg6 : memref<32x1024xf32, #tpu.memory_space<vmem>>)
    %add3A_88 = arith.constant 192 : i32
    %add3A_89 = arith.addi %mul3A_2, %add3A_88 : i32
    "tpu.region"() ({
      %run_scoped3A = tpu.sem_alloc : memref<!tpu.dma_semaphore, #tpu.memory_space<semaphore_mem>>
      %dma_start3A_97 = arith.constant 2048 : i32
      %dma_start3A_98 = tpu.memref_slice %arg4[%add3A_89, %dma_start3A_97] : memref<8192x5120xf32, #tpu.memory_space<hbm>> -> memref<32x1024xf32, #tpu.memory_space<hbm>>
      %dma_start3A_99 = arith.constant 2048 : i32
      %dma_start3A_100 = tpu.memref_slice %arg4[%add3A_89, %dma_start3A_99] : memref<8192x5120xf32, #tpu.memory_space<hbm>> -> memref<32x1024xf32, #tpu.memory_space<hbm>>
      tpu.enqueue_dma source(%arg6 : memref<32x1024xf32, #tpu.memory_space<vmem>>) target(%dma_start3A_100 : memref<32x1024xf32, #tpu.memory_space<hbm>>) target_semaphore(%run_scoped3A : memref<!tpu.dma_semaphore, #tpu.memory_space<semaphore_mem>>)
      %dma_wait3A_101 = arith.constant 2048 : i32
      %dma_wait3A_102 = tpu.memref_slice %arg4[%add3A_89, %dma_wait3A_101] : memref<8192x5120xf32, #tpu.memory_space<hbm>> -> memref<32x1024xf32, #tpu.memory_space<hbm>>
      %dma_wait3A_103 = arith.constant 2048 : i32
      %dma_wait3A_104 = tpu.memref_slice %arg4[%add3A_89, %dma_wait3A_103] : memref<8192x5120xf32, #tpu.memory_space<hbm>> -> memref<32x1024xf32, #tpu.memory_space<hbm>>
      tpu.wait_dma2 semaphore(%run_scoped3A : memref<!tpu.dma_semaphore, #tpu.memory_space<semaphore_mem>>) src(%arg6 : memref<32x1024xf32, #tpu.memory_space<vmem>>) dst(%dma_wait3A_104 : memref<32x1024xf32, #tpu.memory_space<hbm>>)
      tpu.yield
    }) : () -> ()
    %dma_wait3A_90 = arith.constant 224 : i32
    %dma_wait3A_91 = tpu.memref_slice %arg5[%dma_wait3A_90] : memref<256xi32, #tpu.memory_space<vmem>> -> memref<32xi32, #tpu.memory_space<vmem>>
    %dma_wait3A_92 = arith.constant 0 : i32
    %dma_wait3A_93 = arith.constant 0 : i32
    %dma_wait3A_94 = tpu.memref_slice %arg3[%dma_wait3A_92, %dma_wait3A_93] : memref<100000x1024xf32, #tpu.memory_space<hbm>> -> memref<100000x1024xf32, #tpu.memory_space<hbm>>
    tpu.wait_indirect_dma semaphore(%arg9 : memref<!tpu.dma_semaphore, #tpu.memory_space<semaphore_mem>>) src(%dma_wait3A_94 : memref<100000x1024xf32, #tpu.memory_space<hbm>>) dst(%arg7 : memref<32x1024xf32, #tpu.memory_space<vmem>>)
    %add3A_95 = arith.constant 224 : i32
    %add3A_96 = arith.addi %mul3A_2, %add3A_95 : i32
    "tpu.region"() ({
      %run_scoped3A = tpu.sem_alloc : memref<!tpu.dma_semaphore, #tpu.memory_space<semaphore_mem>>
      %dma_start3A_97 = arith.constant 2048 : i32
      %dma_start3A_98 = tpu.memref_slice %arg4[%add3A_96, %dma_start3A_97] : memref<8192x5120xf32, #tpu.memory_space<hbm>> -> memref<32x1024xf32, #tpu.memory_space<hbm>>
      %dma_start3A_99 = arith.constant 2048 : i32
      %dma_start3A_100 = tpu.memref_slice %arg4[%add3A_96, %dma_start3A_99] : memref<8192x5120xf32, #tpu.memory_space<hbm>> -> memref<32x1024xf32, #tpu.memory_space<hbm>>
      tpu.enqueue_dma source(%arg7 : memref<32x1024xf32, #tpu.memory_space<vmem>>) target(%dma_start3A_100 : memref<32x1024xf32, #tpu.memory_space<hbm>>) target_semaphore(%run_scoped3A : memref<!tpu.dma_semaphore, #tpu.memory_space<semaphore_mem>>)
      %dma_wait3A_101 = arith.constant 2048 : i32
      %dma_wait3A_102 = tpu.memref_slice %arg4[%add3A_96, %dma_wait3A_101] : memref<8192x5120xf32, #tpu.memory_space<hbm>> -> memref<32x1024xf32, #tpu.memory_space<hbm>>
      %dma_wait3A_103 = arith.constant 2048 : i32
      %dma_wait3A_104 = tpu.memref_slice %arg4[%add3A_96, %dma_wait3A_103] : memref<8192x5120xf32, #tpu.memory_space<hbm>> -> memref<32x1024xf32, #tpu.memory_space<hbm>>
      tpu.wait_dma2 semaphore(%run_scoped3A : memref<!tpu.dma_semaphore, #tpu.memory_space<semaphore_mem>>) src(%arg7 : memref<32x1024xf32, #tpu.memory_space<vmem>>) dst(%dma_wait3A_104 : memref<32x1024xf32, #tpu.memory_space<hbm>>)
      tpu.yield
    }) : () -> ()
    return
  }
}

module attributes {stable_mosaic.version = 14 : i64} {
  func.func @_assemble_body(%arg0: i32, %arg1: i32, %arg2: memref<256x1xf32, #tpu.memory_space<vmem>>, %arg3: memref<256x1xf32, #tpu.memory_space<vmem>>, %arg4: memref<256x1xf32, #tpu.memory_space<vmem>>, %arg5: memref<256x1xf32, #tpu.memory_space<vmem>>, %arg6: memref<8192x5120xf32, #tpu.memory_space<any>>, %arg7: memref<1x32xf32, #tpu.memory_space<vmem>>, %arg8: memref<1x32xf32, #tpu.memory_space<vmem>>, %arg9: memref<32x1024xf32, #tpu.memory_space<vmem>>, %arg10: memref<1x1024xf32, #tpu.memory_space<vmem>>, %arg11: memref<1x32xf32, #tpu.memory_space<vmem>>, %arg12: memref<1x32xf32, #tpu.memory_space<vmem>>, %arg13: memref<32x1024xf32, #tpu.memory_space<vmem>>, %arg14: memref<1x1024xf32, #tpu.memory_space<vmem>>, %arg15: memref<1x1024xf32, #tpu.memory_space<vmem>>, %arg16: memref<1x1024xf32, #tpu.memory_space<vmem>>, %arg17: memref<1x1024xf32, #tpu.memory_space<vmem>>, %arg18: memref<256x1024xf32, #tpu.memory_space<vmem>>) attributes {dimension_semantics = [#tpu.dimension_semantics<arbitrary>, #tpu.dimension_semantics<arbitrary>], iteration_bounds = array<i64: 32, 4>, scalar_prefetch = 0 : i64, scratch_operands = 0 : i64, tpu.core_type = #tpu.core_type<tc>, window_params = [{transform_indices = @transform_0, window_bounds = array<i64: 256, 1>}, {transform_indices = @transform_1, window_bounds = array<i64: 256, 1>}, {transform_indices = @transform_2, window_bounds = array<i64: 256, 1>}, {transform_indices = @transform_3, window_bounds = array<i64: 256, 1>}, {}, {pipeline_mode = #tpu.pipeline_mode<synchronous>, transform_indices = @transform_5, window_bounds = array<i64: 1, 32>}, {pipeline_mode = #tpu.pipeline_mode<synchronous>, transform_indices = @transform_6, window_bounds = array<i64: 1, 32>}, {pipeline_mode = #tpu.pipeline_mode<synchronous>, transform_indices = @transform_7, window_bounds = array<i64: 32, 1024>}, {pipeline_mode = #tpu.pipeline_mode<synchronous>, transform_indices = @transform_8, window_bounds = array<i64: 1, 1024>}, {pipeline_mode = #tpu.pipeline_mode<synchronous>, transform_indices = @transform_9, window_bounds = array<i64: 1, 32>}, {pipeline_mode = #tpu.pipeline_mode<synchronous>, transform_indices = @transform_10, window_bounds = array<i64: 1, 32>}, {pipeline_mode = #tpu.pipeline_mode<synchronous>, transform_indices = @transform_11, window_bounds = array<i64: 32, 1024>}, {pipeline_mode = #tpu.pipeline_mode<synchronous>, transform_indices = @transform_12, window_bounds = array<i64: 1, 1024>}, {pipeline_mode = #tpu.pipeline_mode<synchronous>, transform_indices = @transform_13, window_bounds = array<i64: 1, 1024>}, {pipeline_mode = #tpu.pipeline_mode<synchronous>, transform_indices = @transform_14, window_bounds = array<i64: 1, 1024>}, {pipeline_mode = #tpu.pipeline_mode<synchronous>, transform_indices = @transform_15, window_bounds = array<i64: 1, 1024>}, {transform_indices = @transform_16, window_bounds = array<i64: 256, 1024>}]} {
    %eq3A = arith.constant 0 : i32
    %eq3A_0 = arith.cmpi eq, %arg1, %eq3A : i32
    %convert_element_type3A = arith.extui %eq3A_0 : i1 to i32
    %cond3A = arith.constant 0 : i32
    %cond3A_1 = arith.cmpi ne, %convert_element_type3A, %cond3A : i32
    scf.if %cond3A_1 {
      %get3A = arith.constant 0 : index
      %get3A_17 = arith.constant 0 : index
      %get3A_18 = vector.load %arg2[%get3A, %get3A_17] : memref<256x1xf32, #tpu.memory_space<vmem>>, vector<256x1xf32>
      %get3A_19 = arith.constant 0 : index
      %get3A_20 = arith.constant 0 : index
      %get3A_21 = vector.load %arg7[%get3A_19, %get3A_20] : memref<1x32xf32, #tpu.memory_space<vmem>>, vector<1x32xf32>
      %mul3A = vector.broadcast %get3A_18 : vector<256x1xf32> to vector<256x32xf32>
      %mul3A_22 = vector.broadcast %get3A_21 : vector<1x32xf32> to vector<256x32xf32>
      %mul3A_23 = arith.mulf %mul3A, %mul3A_22 : vector<256x32xf32>
      %get3A_24 = arith.constant 0 : index
      %get3A_25 = arith.constant 0 : index
      %get3A_26 = vector.load %arg8[%get3A_24, %get3A_25] : memref<1x32xf32, #tpu.memory_space<vmem>>, vector<1x32xf32>
      %add3A = vector.broadcast %get3A_26 : vector<1x32xf32> to vector<256x32xf32>
      %add3A_27 = arith.addf %mul3A_23, %add3A : vector<256x32xf32>
      %tanh3A = math.tanh %add3A_27 : vector<256x32xf32>
      %get3A_28 = arith.constant 0 : index
      %get3A_29 = arith.constant 0 : index
      %get3A_30 = vector.load %arg9[%get3A_28, %get3A_29] : memref<32x1024xf32, #tpu.memory_space<vmem>>, vector<32x1024xf32>
      %dot_general3A = arith.constant dense<0.000000e+00> : vector<256x1024xf32>
      %dot_general3A_31 = tpu.matmul %tanh3A, %get3A_30, %dot_general3A {dimension_numbers = #tpu.dot_dimension_numbers<[1], [0], [0], [1], [0, 0, 1, 1], [], []>, transpose_lhs_hint = false} : vector<256x32xf32>, vector<32x1024xf32>, vector<256x1024xf32> -> vector<256x1024xf32>
      %get3A_32 = arith.constant 0 : index
      %get3A_33 = arith.constant 0 : index
      %get3A_34 = vector.load %arg10[%get3A_32, %get3A_33] : memref<1x1024xf32, #tpu.memory_space<vmem>>, vector<1x1024xf32>
      %add3A_35 = vector.broadcast %get3A_34 : vector<1x1024xf32> to vector<256x1024xf32>
      %add3A_36 = arith.addf %dot_general3A_31, %add3A_35 : vector<256x1024xf32>
      %ne3A = arith.constant 0.000000e+00 : f32
      %ne3A_37 = vector.broadcast %ne3A : f32 to vector<256x1xf32>
      %ne3A_38 = arith.cmpf one, %get3A_18, %ne3A_37 : vector<256x1xf32>
      %get3A_39 = arith.constant 0 : index
      %get3A_40 = arith.constant 0 : index
      %get3A_41 = vector.load %arg4[%get3A_39, %get3A_40] : memref<256x1xf32, #tpu.memory_space<vmem>>, vector<256x1xf32>
      %ne3A_42 = arith.constant 0.000000e+00 : f32
      %ne3A_43 = vector.broadcast %ne3A_42 : f32 to vector<256x1xf32>
      %ne3A_44 = arith.cmpf one, %get3A_41, %ne3A_43 : vector<256x1xf32>
      %and3A = arith.andi %ne3A_38, %ne3A_44 : vector<256x1xi1>
      %get3A_45 = arith.constant 0 : index
      %get3A_46 = arith.constant 0 : index
      %get3A_47 = vector.load %arg15[%get3A_45, %get3A_46] : memref<1x1024xf32, #tpu.memory_space<vmem>>, vector<1x1024xf32>
      %broadcast_in_dim3A = vector.shape_cast %and3A : vector<256x1xi1> to vector<256x1xi1>
      %broadcast_in_dim3A_48 = vector.broadcast %broadcast_in_dim3A : vector<256x1xi1> to vector<256x1024xi1>
      %broadcast_in_dim3A_49 = vector.shape_cast %get3A_47 : vector<1x1024xf32> to vector<1x1024xf32>
      %broadcast_in_dim3A_50 = vector.broadcast %broadcast_in_dim3A_49 : vector<1x1024xf32> to vector<256x1024xf32>
      %select_n3A = arith.select %broadcast_in_dim3A_48, %add3A_36, %broadcast_in_dim3A_50 : vector<256x1024xi1>, vector<256x1024xf32>
      %swap3A = arith.constant 0 : index
      %swap3A_51 = arith.constant 0 : index
      %swap3A_52 = vector.load %arg18[%swap3A, %swap3A_51] : memref<256x1024xf32, #tpu.memory_space<vmem>>, vector<256x1024xf32>
      tpu.vector_store %arg18[%swap3A, %swap3A_51], %select_n3A {strides = array<i32>} : memref<256x1024xf32, #tpu.memory_space<vmem>>, vector<256x1024xf32>,
    } else {
    }
    %eq3A_2 = arith.constant 1 : i32
    %eq3A_3 = arith.cmpi eq, %arg1, %eq3A_2 : i32
    %convert_element_type3A_4 = arith.extui %eq3A_3 : i1 to i32
    %cond3A_5 = arith.constant 0 : i32
    %cond3A_6 = arith.cmpi ne, %convert_element_type3A_4, %cond3A_5 : i32
    scf.if %cond3A_6 {
      %get3A = arith.constant 0 : index
      %get3A_17 = arith.constant 0 : index
      %get3A_18 = vector.load %arg16[%get3A, %get3A_17] : memref<1x1024xf32, #tpu.memory_space<vmem>>, vector<1x1024xf32>
      %broadcast_in_dim3A = vector.shape_cast %get3A_18 : vector<1x1024xf32> to vector<1x1024xf32>
      %broadcast_in_dim3A_19 = vector.broadcast %broadcast_in_dim3A : vector<1x1024xf32> to vector<256x1024xf32>
      %swap3A = arith.constant 0 : index
      %swap3A_20 = arith.constant 0 : index
      %swap3A_21 = vector.load %arg18[%swap3A, %swap3A_20] : memref<256x1024xf32, #tpu.memory_space<vmem>>, vector<256x1024xf32>
      tpu.vector_store %arg18[%swap3A, %swap3A_20], %broadcast_in_dim3A_19 {strides = array<i32>} : memref<256x1024xf32, #tpu.memory_space<vmem>>, vector<256x1024xf32>,
    } else {
    }
    %eq3A_7 = arith.constant 2 : i32
    %eq3A_8 = arith.cmpi eq, %arg1, %eq3A_7 : i32
    %convert_element_type3A_9 = arith.extui %eq3A_8 : i1 to i32
    %cond3A_10 = arith.constant 0 : i32
    %cond3A_11 = arith.cmpi ne, %convert_element_type3A_9, %cond3A_10 : i32
    scf.if %cond3A_11 {
      %get3A = arith.constant 0 : index
      %get3A_17 = arith.constant 0 : index
      %get3A_18 = vector.load %arg17[%get3A, %get3A_17] : memref<1x1024xf32, #tpu.memory_space<vmem>>, vector<1x1024xf32>
      %broadcast_in_dim3A = vector.shape_cast %get3A_18 : vector<1x1024xf32> to vector<1x1024xf32>
      %broadcast_in_dim3A_19 = vector.broadcast %broadcast_in_dim3A : vector<1x1024xf32> to vector<256x1024xf32>
      %swap3A = arith.constant 0 : index
      %swap3A_20 = arith.constant 0 : index
      %swap3A_21 = vector.load %arg18[%swap3A, %swap3A_20] : memref<256x1024xf32, #tpu.memory_space<vmem>>, vector<256x1024xf32>
      tpu.vector_store %arg18[%swap3A, %swap3A_20], %broadcast_in_dim3A_19 {strides = array<i32>} : memref<256x1024xf32, #tpu.memory_space<vmem>>, vector<256x1024xf32>,
    } else {
    }
    %eq3A_12 = arith.constant 3 : i32
    %eq3A_13 = arith.cmpi eq, %arg1, %eq3A_12 : i32
    %convert_element_type3A_14 = arith.extui %eq3A_13 : i1 to i32
    %cond3A_15 = arith.constant 0 : i32
    %cond3A_16 = arith.cmpi ne, %convert_element_type3A_14, %cond3A_15 : i32
    scf.if %cond3A_16 {
      %get3A = arith.constant 0 : index
      %get3A_17 = arith.constant 0 : index
      %get3A_18 = vector.load %arg3[%get3A, %get3A_17] : memref<256x1xf32, #tpu.memory_space<vmem>>, vector<256x1xf32>
      %get3A_19 = arith.constant 0 : index
      %get3A_20 = arith.constant 0 : index
      %get3A_21 = vector.load %arg11[%get3A_19, %get3A_20] : memref<1x32xf32, #tpu.memory_space<vmem>>, vector<1x32xf32>
      %mul3A = vector.broadcast %get3A_18 : vector<256x1xf32> to vector<256x32xf32>
      %mul3A_22 = vector.broadcast %get3A_21 : vector<1x32xf32> to vector<256x32xf32>
      %mul3A_23 = arith.mulf %mul3A, %mul3A_22 : vector<256x32xf32>
      %get3A_24 = arith.constant 0 : index
      %get3A_25 = arith.constant 0 : index
      %get3A_26 = vector.load %arg12[%get3A_24, %get3A_25] : memref<1x32xf32, #tpu.memory_space<vmem>>, vector<1x32xf32>
      %add3A = vector.broadcast %get3A_26 : vector<1x32xf32> to vector<256x32xf32>
      %add3A_27 = arith.addf %mul3A_23, %add3A : vector<256x32xf32>
      %tanh3A = math.tanh %add3A_27 : vector<256x32xf32>
      %get3A_28 = arith.constant 0 : index
      %get3A_29 = arith.constant 0 : index
      %get3A_30 = vector.load %arg13[%get3A_28, %get3A_29] : memref<32x1024xf32, #tpu.memory_space<vmem>>, vector<32x1024xf32>
      %dot_general3A = arith.constant dense<0.000000e+00> : vector<256x1024xf32>
      %dot_general3A_31 = tpu.matmul %tanh3A, %get3A_30, %dot_general3A {dimension_numbers = #tpu.dot_dimension_numbers<[1], [0], [0], [1], [0, 0, 1, 1], [], []>, transpose_lhs_hint = false} : vector<256x32xf32>, vector<32x1024xf32>, vector<256x1024xf32> -> vector<256x1024xf32>
      %get3A_32 = arith.constant 0 : index
      %get3A_33 = arith.constant 0 : index
      %get3A_34 = vector.load %arg14[%get3A_32, %get3A_33] : memref<1x1024xf32, #tpu.memory_space<vmem>>, vector<1x1024xf32>
      %add3A_35 = vector.broadcast %get3A_34 : vector<1x1024xf32> to vector<256x1024xf32>
      %add3A_36 = arith.addf %dot_general3A_31, %add3A_35 : vector<256x1024xf32>
      %get3A_37 = arith.constant 0 : index
      %get3A_38 = arith.constant 0 : index
      %get3A_39 = vector.load %arg5[%get3A_37, %get3A_38] : memref<256x1xf32, #tpu.memory_space<vmem>>, vector<256x1xf32>
      %ne3A = arith.constant 0.000000e+00 : f32
      %ne3A_40 = vector.broadcast %ne3A : f32 to vector<256x1xf32>
      %ne3A_41 = arith.cmpf one, %get3A_39, %ne3A_40 : vector<256x1xf32>
      %get3A_42 = arith.constant 0 : index
      %get3A_43 = arith.constant 0 : index
      %get3A_44 = vector.load %arg17[%get3A_42, %get3A_43] : memref<1x1024xf32, #tpu.memory_space<vmem>>, vector<1x1024xf32>
      %broadcast_in_dim3A = vector.shape_cast %ne3A_41 : vector<256x1xi1> to vector<256x1xi1>
      %broadcast_in_dim3A_45 = vector.broadcast %broadcast_in_dim3A : vector<256x1xi1> to vector<256x1024xi1>
      %broadcast_in_dim3A_46 = vector.shape_cast %get3A_44 : vector<1x1024xf32> to vector<1x1024xf32>
      %broadcast_in_dim3A_47 = vector.broadcast %broadcast_in_dim3A_46 : vector<1x1024xf32> to vector<256x1024xf32>
      %select_n3A = arith.select %broadcast_in_dim3A_45, %add3A_36, %broadcast_in_dim3A_47 : vector<256x1024xi1>, vector<256x1024xf32>
      %swap3A = arith.constant 0 : index
      %swap3A_48 = arith.constant 0 : index
      %swap3A_49 = vector.load %arg18[%swap3A, %swap3A_48] : memref<256x1024xf32, #tpu.memory_space<vmem>>, vector<256x1024xf32>
      tpu.vector_store %arg18[%swap3A, %swap3A_48], %select_n3A {strides = array<i32>} : memref<256x1024xf32, #tpu.memory_space<vmem>>, vector<256x1024xf32>,
    } else {
    }
    return
  }
  func.func @transform_0(%arg0: i32, %arg1: i32) -> (i32, i32) {
    %c0_i32 = arith.constant 0 : i32
    %c0_i32_0 = arith.constant 0 : i32
    return %arg0, %c0_i32 : i32, i32
  }
  func.func @transform_1(%arg0: i32, %arg1: i32) -> (i32, i32) {
    %c0_i32 = arith.constant 0 : i32
    %c0_i32_0 = arith.constant 0 : i32
    return %arg0, %c0_i32 : i32, i32
  }
  func.func @transform_2(%arg0: i32, %arg1: i32) -> (i32, i32) {
    %c0_i32 = arith.constant 0 : i32
    %c0_i32_0 = arith.constant 0 : i32
    return %arg0, %c0_i32 : i32, i32
  }
  func.func @transform_3(%arg0: i32, %arg1: i32) -> (i32, i32) {
    %c0_i32 = arith.constant 0 : i32
    %c0_i32_0 = arith.constant 0 : i32
    return %arg0, %c0_i32 : i32, i32
  }
  func.func @transform_5(%arg0: i32, %arg1: i32) -> (i32, i32) {
    %c0_i32 = arith.constant 0 : i32
    %c0_i32_0 = arith.constant 0 : i32
    %c0_i32_1 = arith.constant 0 : i32
    return %c0_i32, %c0_i32_0 : i32, i32
  }
  func.func @transform_6(%arg0: i32, %arg1: i32) -> (i32, i32) {
    %c0_i32 = arith.constant 0 : i32
    %c0_i32_0 = arith.constant 0 : i32
    %c0_i32_1 = arith.constant 0 : i32
    return %c0_i32, %c0_i32_0 : i32, i32
  }
  func.func @transform_7(%arg0: i32, %arg1: i32) -> (i32, i32) {
    %c0_i32 = arith.constant 0 : i32
    %c0_i32_0 = arith.constant 0 : i32
    %c0_i32_1 = arith.constant 0 : i32
    return %c0_i32, %c0_i32_0 : i32, i32
  }
  func.func @transform_8(%arg0: i32, %arg1: i32) -> (i32, i32) {
    %c0_i32 = arith.constant 0 : i32
    %c0_i32_0 = arith.constant 0 : i32
    %c0_i32_1 = arith.constant 0 : i32
    return %c0_i32, %c0_i32_0 : i32, i32
  }
  func.func @transform_9(%arg0: i32, %arg1: i32) -> (i32, i32) {
    %c0_i32 = arith.constant 0 : i32
    %c0_i32_0 = arith.constant 0 : i32
    %c0_i32_1 = arith.constant 0 : i32
    return %c0_i32, %c0_i32_0 : i32, i32
  }
  func.func @transform_10(%arg0: i32, %arg1: i32) -> (i32, i32) {
    %c0_i32 = arith.constant 0 : i32
    %c0_i32_0 = arith.constant 0 : i32
    %c0_i32_1 = arith.constant 0 : i32
    return %c0_i32, %c0_i32_0 : i32, i32
  }
  func.func @transform_11(%arg0: i32, %arg1: i32) -> (i32, i32) {
    %c0_i32 = arith.constant 0 : i32
    %c0_i32_0 = arith.constant 0 : i32
    %c0_i32_1 = arith.constant 0 : i32
    return %c0_i32, %c0_i32_0 : i32, i32
  }
  func.func @transform_12(%arg0: i32, %arg1: i32) -> (i32, i32) {
    %c0_i32 = arith.constant 0 : i32
    %c0_i32_0 = arith.constant 0 : i32
    %c0_i32_1 = arith.constant 0 : i32
    return %c0_i32, %c0_i32_0 : i32, i32
  }
  func.func @transform_13(%arg0: i32, %arg1: i32) -> (i32, i32) {
    %c0_i32 = arith.constant 0 : i32
    %c0_i32_0 = arith.constant 0 : i32
    %c0_i32_1 = arith.constant 0 : i32
    return %c0_i32, %c0_i32_0 : i32, i32
  }
  func.func @transform_14(%arg0: i32, %arg1: i32) -> (i32, i32) {
    %c0_i32 = arith.constant 0 : i32
    %c0_i32_0 = arith.constant 0 : i32
    %c0_i32_1 = arith.constant 0 : i32
    return %c0_i32, %c0_i32_0 : i32, i32
  }
  func.func @transform_15(%arg0: i32, %arg1: i32) -> (i32, i32) {
    %c0_i32 = arith.constant 0 : i32
    %c0_i32_0 = arith.constant 0 : i32
    %c0_i32_1 = arith.constant 0 : i32
    return %c0_i32, %c0_i32_0 : i32, i32
  }
  func.func @transform_16(%arg0: i32, %arg1: i32) -> (i32, i32) {
    %ge3A = arith.constant 2 : i32
    %ge3A_0 = arith.cmpi sge, %arg1, %ge3A : i32
    %convert_element_type3A = arith.extui %ge3A_0 : i1 to i32
    %add3A = arith.addi %arg1, %convert_element_type3A : i32
    %c0_i32 = arith.constant 0 : i32
    return %arg0, %add3A : i32, i32
  }
}

</mosaic_0001>

<sc_bundles>
// kernel: kernel.4.cloned.1.call-start
scs
__scs_entry_jumppad:
0x0: {  	(pc) =	sbr.rel $0x88, $3  }
0x1: {  	(tag) =	ssettag $0x0;
	lr =	simm.s32 $0x1  }
0x2: {  	[smem:$0x3F90] =	sst lr;
	_ =	strace $0xD0000000  }
0x3: {  	_ = 	snop  }
0x4: {  	_ = 	snop  }
0x5: {  	_ = 	snop  }
0x6: {  	_ = 	snop  }
0x7: {  	_ = 	snop  }
__scs_overlays_trampoline_lowered:
0x8: {  	[smem:$0x3F9F] =	sst s0  }
0x9: {  	[smem:$0x3FA0] =	sst s1  }
0xa: {  	[smem:$0x3FA1] =	sst s2  }
0xb: {  	[smem:$0x3FA2] =	sst s3  }
0xc: {  	[smem:$0x3FA3] =	sst s4  }
0xd: {  	[smem:$0x3FA4] =	sst s5  }
0xe: {  	[smem:$0x3FA5] =	sst s6  }
0xf: {  	[smem:$0x3FA6] =	sst s7  }
0x10: {  	[smem:$0x3FA7] =	sst s8  }
0x11: {  	[smem:$0x3FA8] =	sst s9;
	s0 =	simm.s32 @!p0 $0x0  }
0x12: {  	s1 =	sld [smem:$0x3F8E];
	s0 =	simm.s32 @p0 $0x1  }
0x13: {  	[smem:$0x3FA9] =	sst s0;
	s0 =	simm.s32 @!p1 $0x0  }
0x14: {  	s2 =	sld [smem:$0x3F8D];
	s0 =	simm.s32 @p1 $0x1  }
0x15: {  	[smem:$0x3FAA] =	sst s0;
	s0 =	simm.s32 @!p2 $0x0  }
0x16: {  	s3 =	sld [smem:$0x3FDB];
	s0 =	simm.s32 @p2 $0x1  }
0x17: {  	s4 =	simm.s32 $0x1BF5;
	[smem:$0x3FAC] =	sst s0  }
0x18: {  	s0 =	sld [smem:$0x3F8F];
	_ =	swait.ge [sflag:s4], $0x0  }
0x19: {  	s7 =	sld [smem:$0x3F90]  }
0x1a: {  	s8 =	sadd.s32 $0xFFFFE003, lr  }
0x1b: {  	s9 =	sadd.s32 $0xFFFFFEF7, lr;
	s5 =	simm.s32 $0xFFFFFFFF;
	p2 =	slt.u32 s8, $0xFFFFF086  }
0x1c: {  	p1 =	slt.u32 s9, $0xF7A;
	s5 =	simm.s32 @!p2 $0x0  }
0x1d: {  	s5 =	simm.s32 @p1 $0x1;
	p0 =	seq.s32 s7, s2  }
0x1e: {  	s7 =	smul.u32 @!p0 $0xF7A, s2;
	p2 =	seq.s32 @!p0 s5, $0x0  }
0x1f: {  	s9 =	smul.u32 $0xF7A, s1;
	s8 =	simm.s32 @!p0 $0x1BF5;
	p2 =	por !p2, p0  }
0x20: {  	[sflag:s8] =	ssyncset.s32 @!p0 $0xFFFFF086;
	s6 =	sadd.s32 @!p0 s3, s7;
	s7 =	simm.s32 @!p0 $0x108  }
0x21: {  	s3 =	sadd.s32 s3, s9;
	s6 =	sadd.s32 @!p0 $0x88, s6;
	s7 =	simm.s32 @p2 $0x1082  }
0x22: {  	[simem:s7], [sflag:s8] =	dma.local @!p0 [hbm:s6], $0xF7A  }
0x23: {  	s9 =	sor.u32 $0xD0000000, s2;
	s6 =	simm.s32 $0x108;
	_ =	swait.ge @!p0 [sflag:s8], $0x0  }
0x24: {  	s3 =	sadd.s32 $0x88, s3;
	s6 =	simm.s32 @!p1 $0x1082;
	[sflag:s4] =	ssyncset.s32 $0xFFFFF086  }
0x25: {  	[simem:s6], [sflag:s4] =	dma.local [hbm:s3], $0xF7A  }
0x26: {  	[smem:$0x3F90] =	sst s1;
	(tag) =	ssettag s2;
	_ =	strace s9  }
0x27: {  	s1 =	sld [smem:$0x3FA0]  }
0x28: {  	s2 =	sld [smem:$0x3FA1]  }
0x29: {  	s4 =	sld [smem:$0x3FA3]  }
0x2a: {  	p0 =	seq.s32 s5, $0x0;
	s5 =	sld [smem:$0x3FA4]  }
0x2b: {  	s6 =	sld [smem:$0x3FA5]  }
0x2c: {  	s7 =	sld [smem:$0x3FA6]  }
0x2d: {  	s3 =	simm.s32 $0x108;
	s8 =	sld [smem:$0x3FA7]  }
0x2e: {  	s3 =	simm.s32 @!p0 $0x1082;
	s9 =	sld [smem:$0x3FA8]  }
0x2f: {  	lr =	sadd.s32 s0, s3;
	s0 =	sld [smem:$0x3F9F]  }
0x30: {  	s3 =	sld [smem:$0x3FA2]  }
0x31: {  	[smem:$0x3FAB] =	sst s10  }
0x32: {  	s10 =	sld [smem:$0x3FA9];
	_ =	sdelay $0x3  }
0x33: {  	p0 =	seq.s32 s10, $0x1;
	s10 =	sld [smem:$0x3FAB];
	_ =	sdelay $0x3  }
0x34: {  	[smem:$0x3FAB] =	sst s10  }
0x35: {  	s10 =	sld [smem:$0x3FAA];
	_ =	sdelay $0x3  }
0x36: {  	p1 =	seq.s32 s10, $0x1;
	s10 =	sld [smem:$0x3FAB];
	_ =	sdelay $0x3  }
0x37: {  	[smem:$0x3FAB] =	sst s10  }
0x38: {  	s10 =	sld [smem:$0x3FAC]  }
0x39: {  	_ = 	snop;
	(pc) =	sbr.ind lr, $3  }
0x3a: {  	_ = 	snop  }
0x3b: {  	_ = 	snop  }
0x3c: {  	p2 =	seq.s32 s10, $0x1;
	s10 =	sld [smem:$0x3FAB]  }
0x3d: {  	_ =	shalt  }
0x3e: {  	_ =	shalt  }
0x3f: {  	_ =	shalt  }
0x40: {  	_ =	shalt  }
0x41: {  	_ =	shalt  }
0x42: {  	_ =	shalt  }
0x43: {  	_ =	shalt  }
0x44: {  	_ =	shalt  }
0x45: {  	_ =	shalt  }
0x46: {  	_ =	shalt  }
0x47: {  	_ =	shalt  }
0x48: {  	_ =	shalt  }
0x49: {  	_ =	shalt  }
0x4a: {  	_ =	shalt  }
0x4b: {  	_ =	shalt  }
0x4c: {  	_ =	shalt  }
0x4d: {  	_ =	shalt  }
0x4e: {  	_ =	shalt  }
0x4f: {  	_ =	shalt  }
0x50: {  	_ =	shalt  }
0x51: {  	_ =	shalt  }
0x52: {  	_ =	shalt  }
0x53: {  	_ =	shalt  }
0x54: {  	_ =	shalt  }
0x55: {  	_ =	shalt  }
0x56: {  	_ =	shalt  }
0x57: {  	_ =	shalt  }
0x58: {  	_ =	shalt  }
0x59: {  	_ =	shalt  }
0x5a: {  	_ =	shalt  }
0x5b: {  	_ =	shalt  }
0x5c: {  	_ =	shalt  }
0x5d: {  	_ =	shalt  }
0x5e: {  	_ =	shalt  }
0x5f: {  	_ =	shalt  }
0x60: {  	_ =	shalt  }
0x61: {  	_ =	shalt  }
0x62: {  	_ =	shalt  }
0x63: {  	_ =	shalt  }
0x64: {  	_ =	shalt  }
0x65: {  	_ =	shalt  }
0x66: {  	_ =	shalt  }
0x67: {  	_ =	shalt  }
0x68: {  	_ =	shalt  }
0x69: {  	_ =	shalt  }
0x6a: {  	_ =	shalt  }
0x6b: {  	_ =	shalt  }
0x6c: {  	_ =	shalt  }
0x6d: {  	_ =	shalt  }
0x6e: {  	_ =	shalt  }
0x6f: {  	_ =	shalt  }
0x70: {  	_ =	shalt  }
0x71: {  	_ =	shalt  }
0x72: {  	_ =	shalt  }
0x73: {  	_ =	shalt  }
0x74: {  	_ =	shalt  }
0x75: {  	_ =	shalt  }
0x76: {  	_ =	shalt  }
0x77: {  	_ =	shalt  }
0x78: {  	_ =	shalt  }
0x79: {  	_ =	shalt  }
0x7a: {  	_ =	shalt  }
0x7b: {  	_ =	shalt  }
0x7c: {  	_ =	shalt  }
0x7d: {  	_ =	shalt  }
0x7e: {  	_ =	shalt  }
0x7f: {  	_ =	shalt  }
0x80: {  	_ =	shalt  }
0x81: {  	_ =	shalt  }
0x82: {  	_ =	shalt  }
0x83: {  	_ =	shalt  }
0x84: {  	_ =	shalt  }
0x85: {  	_ =	shalt  }
0x86: {  	_ =	shalt  }
0x87: {  	_ =	shalt  }
.Lfunc_end0:
.L_simem_size_0:
called_computation_lowered:
.L_overlay_start_0:
0x88: {  	s2 =	sld [smem:$0x3FD9]  }
0x89: {  	s3 =	sld [smem:$0x3FFE];
	_ =	sdelay $0x1  }
0x8a: {  	s1 =	srdreg.scid  }
0x8b: {  	s0 =	sand.u32 $0x1, s1  }
0x8c: {  	s18 =	sshll.u32 s0, $0xA;
	s2 =	sadd.s32 s3, s2  }
0x8d: {  	s2 =	sadd.s32 s2, s18  }
0x8e: {  	[smem:$0x3FB7] =	sst s2  }
0x8f: {  	_ = 	snop  }
0x90: {  	s2 =	sld [smem:$0x3FC8]  }
0x91: {  	s19 =	sld [smem:$0x3FC4]  }
0x92: {  	s4 =	sld [smem:$0x3FD0];
	(tm) =	ssettm $0x1  }
0x93: {  	s5 =	sld [smem:$0x3FFB];
	_ =	sdelay $0x3  }
0x94: {  	_ =	strace s5  }
0x95: {  	s5 =	sld [smem:$0x3FFC];
	_ =	sdelay $0x3  }
0x96: {  	_ =	strace s5  }
0x97: {  	s5 =	sld [smem:$0x3FFD];
	_ =	sdelay $0x3  }
0x98: {  	_ =	strace s5  }
0x99: {  	_ =	strace $0x8FFFFFFF  }
0x9a: {  	s20 =	sld [smem:$0x3FDB];
	_ =	sdelay $0x1  }
0x9b: {  	s6 =	simm.s32 $_scs_section_size  }
0x9c: {  	s7 =	simm.s32 $_size__tile_overlayer_lowered;
	s8 =	simm.s32 $_tile_overlayer_lowered  }
0x9d: {  	s23 =	simm.s32 $0x1BFF;
	s22 =	sshll.u32 s8, $0x1;
	s5 =	sadd.s32 s6, s20  }
0x9e: {  	s9 =	simm.s32 $0x0;
	s21 =	sshll.u32 s7, $0x1;
	s7 =	sadd.s32 s22, s5  }
0x9f: {  	[timem:s9], [sflag:s23] =	dma.local [hbm:s7], s21  }
0xa0: {  	_ =	swait.ge [sflag:s23], s21  }
0xa1: {  	s6 =	ssub.s32 $0x0, s21;
	[sflag:s23] =	ssyncset.done $0x0  }
0xa2: {  	[sflag:s23] =	ssyncadd.s32 s6;
	_ =	sdelay $0x1  }
0xa3: {  	s24 =	simm.s32 $0x1B8B  }
0xa4: {  	_ =	swait.ge [sflag:s24], $0x1  }
0xa5: {  	[sflag:s24] =	ssyncset.done $0x0  }
0xa6: {  	s25 =	simm.s32 $0x1B8E;
	[sflag:s24] =	ssyncadd.s32 $0xFFFFFFFF  }
0xa7: {  	s26 =	simm.s32 $execute0_lowered;
	[smem:$0x3FD2] =	sst s25  }
0xa8: {  	s6 =	sshll.u32 s26, $0x1;
	_ =	strace $0x80000046;
	[dreg:$0x1] =	wrdreg $0xFFFFFFFF  }
0xa9: {  	s28 =	simm.s32 $_size_execute0_lowered;
	s5 =	sadd.s32 s5, s6;
	[dreg:$0x0] =	wrdreg $0x0  }
0xaa: {  	s6 =	sshll.u32 s28, $0x1;
	[dreg:$0x2] =	wrdreg s5  }
0xab: {  	[dreg:$0x3] =	wrdreg s6  }
0xac: {  	[dreg:$0x4] =	wrdreg $0xC0  }
0xad: {  	_ =	task [dreg:s9], $0x5FFFF  }
0xae: {  	[dreg:$0x1] =	wrdreg $0xFFFFFFFF  }
0xaf: {  	[dreg:$0x0] =	wrdreg $0x60  }
0xb0: {  	[dreg:$0x2] =	wrdreg s2  }
0xb1: {  	[dreg:$0x3] =	wrdreg s19  }
0xb2: {  	[dreg:$0x4] =	wrdreg s4  }
0xb3: {  	[dreg:$0x5] =	wrdreg $0x9  }
0xb4: {  	_ =	task.clear_ibuf [dreg:s9], $0x6FFFF;
	_ =	strace $0x90000046  }
0xb5: {  	s29 =	simm.s32 $0x9;
	_ =	strace $0x80000048  }
0xb6: {  	_ =	swait.ge [sflag:s29], $0x1  }
0xb7: {  	[sflag:s29] =	ssyncadd.s32 $0xFFFFFFFF  }
0xb8: {  	_ =	strace $0x90000048  }
0xb9: {  	_ =	sfence  }
0xba: {  	s30 =	sld [smem:$0x0];
	_ =	sdelay $0x2  }
0xbb: {  	s31 =	sshll.u32 s1, $0xD;
	s1 =	sshrl.u32 s1, $0x2  }
0xbc: {  	s3 =	sand.u32 $0x4000, s31;
	s1 =	sadd.s32 s1, s30  }
0xbd: {  	s0 =	sor.u32 s3, s0;
	s1 =	sshll.u32 s1, $0x11  }
0xbe: {  	s0 =	sor.u32 s1, s0  }
0xbf: {  	s0 =	sadd.s32 $0x8F2B, s0  }
0xc0: {  	[sflag:s0] =	ssyncadd.remote.s32 $0x1  }
0xc1: {  	_ =	sfence.sel $0xFFFF  }
0xc2: {  	[dreg:$0x0] =	wrdreg $0xFFFFFFFF;
	(pc) =	sbr.abs _section_cstart, $3  }
0xc3: {  	[dreg:$0x1] =	wrdreg $0xFFFFFFFF  }
0xc4: {  	_ =	task.clear_ibuf [dreg:s9], $0x2FFFF;
	_ =	strace $0x9FFFFFFF  }
0xc5: {  	(tm) =	ssettm $0x7FFFFFFF  }
tec
execute0_lowered:
.L_overlay_start_1:
0x0: {  	(tag) =	ssettag $0x1  }
0x1: {  	s0 =	srdreg.scid;
	s1 =	rddreg [dreg:$0x0]  }
0x2: {  	s3 =	stileid.u32;
	s2 =	rddreg [dreg:$0x1]  }
0x3: {  	s5 =	rddreg [dreg:$0x2];
	s8 =	simm.s32 $0x3;
	s9 =	simm.s32 $0x100  }
0x4: {  	s28 =	simm.s32 $0x2100;
	s29 =	simm.s32 $0x2900;
	s30 =	simm.s32 $0x3100  }
0x5: {  	s31 =	simm.s32 $0x3900;
	s10 =	simm.s32 $0x5100;
	s11 =	simm.s32 $0x5900  }
0x6: {  	s12 =	simm.s32 $0x6100;
	s13 =	simm.s32 $0x6900;
	s0 =	sand.u32 $0x1, s0  }
0x7: {  	s14 =	simm.s32 $0x7100;
	s3 =	sshll.u32 s3, $0x6;
	s4 =	sshll.u32 s0, $0x5  }
0x8: {  	s15 =	simm.s32 $0x7900;
	s0 =	ssub.s32 $0x2, s0;
	s4 =	sor.u32 s4, s3  }
0x9: {  	s3 =	simm.s32 $0x0;
	s21 =	sshrl.u32 s0, $0x1;
	s6 =	smul.u32 $0x1400, s4  }
0xa: {  	[smem:$0x7FF] =	sst s3;
	s7 =	smul.u32 $0xA000, s4;
	s1 =	sadd.s32 s1, s4  }
0xb: {  	s0 =	ssub.s32 s0, s21;
	s4 =	sadd.s32 $0x100, s2;
	s21 =	simm.s32 $0x2  }
0xc: {  	_ =	strace $0x80000047;
	[dreg:$0x4] =	wrdreg s1;
	s16 =	sadd.s32 s6, s5  }
0xd: {  	s1 =	simm.s32 $0x4100;
	s18 =	sshrl.u32 s7, $0x3;
	s17 =	sadd.s32 $0x800, s16  }
0xe: {  	s19 =	sadd.s32 $0x5800, s16;
	s7 =	sadd.s32 s5, s18;
	[dreg:$0x5] =	wrdreg s17  }
0xf: {  	s6 =	sadd.s32 $0x300, s2;
	[dreg:$0x6] =	wrdreg s19;
	s20 =	sadd.s32 $0xA800, s7  }
0x10: {  	s5 =	sadd.s32 $0x200, s2;
	s22 =	sadd.s32 $0xF800, s7;
	[dreg:$0x7] =	wrdreg s20  }
0x11: {  	s18 =	simm.s32 $0x1;
	s23 =	sadd.s32 $0x14800, s7;
	[dreg:$0x8] =	wrdreg s22  }
0x12: {  	s24 =	sadd.s32 $0x19800, s7;
	s25 =	sadd.s32 $0x1E800, s7;
	[dreg:$0x9] =	wrdreg s23  }
0x13: {  	s26 =	sadd.s32 $0x23800, s7;
	s7 =	smax.u32 s0, $0x1;
	[dreg:$0xa] =	wrdreg s24  }
0x14: {  	v2 =	vlaneseq.u32;
	s19 =	simm.s32 $0x2000;
	s17 =	simm.s32 $0x4900;
	[dreg:$0xb] =	wrdreg s25  }
0x15: {  	vm0 =	vmmov $0xffff;
	v1 =	vshrl.u32 v2, $0x3;
	[dreg:$0xc] =	wrdreg s26;
	s25 =	simm.s32 $0x8100;
	s20 =	simm.s32 $0xA000  }
0x16: {  	v0 =	vand.u32 $0x7, v2;
	v2 =	vor.u32 $0x8, v2;
	v1 =	vmul.u32 $0x8, v1;
	s23 =	simm.s32 $0x900;
	s24 =	simm.s32 $0x1100;
	s26 =	simm.s32 $0x1900  }
.LBB2_1:
0x17: {  	s22 =	rddreg [dreg:$0x4]  }
0x18: {  	[tilespmem:s3], [sflag:$0x3] =	stream.linear.gather [hbm4b:s22+s3], $0x100, $0x38;
	[tilespmem:$0x10100] =	vst v63  }
0x19: {  	_ =	swait.ge [sflag:s8], $0x100  }
0x1a: {  	[sflag:s8] =	ssyncset.done $0x0  }
0x1b: {  	[sflag:s8] =	ssyncadd.s32 $0xFFFFFF00  }
0x1c: {  	v3 =	vld [tilespmem:$0x0];
	_ =	sdelay $0x4  }
0x1d: {  	v4 =	vshll.u32 v3, $0x3  }
0x1e: {  	v3 =	vand.u32 $0x7, v3;
	v4 =	vand.u32 $0xFFFFFFC0, v4  }
0x1f: {  	v3 =	vor.u32 v3, v4  }
0x20: {  	v4 =	vperm.xlane v3, v0;
	_ =	sdelay $0x1  }
0x21: {  	v4 =	vadd.s32 v1, v4;
	_ =	sdelay $0x4  }
0x22: {  	[tilespmem:s9], [sflag:$0x1] =	stream.indirect_vreg.gather [hbm4b:s2+s3], $0x80, v4, vm0, $0xb8;
	[tilespmem:$0x10100] =	vst v63  }
0x23: {  	v3 =	vperm.xlane v3, v2  }
0x24: {  	[tilespmem:s23], [sflag:$0x1] =	stream.indirect_vreg.gather [hbm4b:s4+s3], $0x80, v4, vm0, $0xb8;
	[tilespmem:$0x10100] =	vst v63  }
0x25: {  	v3 =	vadd.s32 v1, v3  }
0x26: {  	[tilespmem:s24], [sflag:$0x1] =	stream.indirect_vreg.gather [hbm4b:s5+s3], $0x80, v4, vm0, $0xb8;
	[tilespmem:$0x10100] =	vst v63  }
0x27: {  	_ = 	snop  }
0x28: {  	[tilespmem:s26], [sflag:$0x1] =	stream.indirect_vreg.gather [hbm4b:s6+s3], $0x80, v4, vm0, $0xb8;
	[tilespmem:$0x10100] =	vst v63  }
0x29: {  	_ = 	snop  }
0x2a: {  	[tilespmem:s28], [sflag:$0x1] =	stream.indirect_vreg.gather [hbm4b:s2+s3], $0x80, v3, vm0, $0xb8;
	[tilespmem:$0x10100] =	vst v63  }
0x2b: {  	_ = 	snop  }
0x2c: {  	[tilespmem:s29], [sflag:$0x1] =	stream.indirect_vreg.gather [hbm4b:s4+s3], $0x80, v3, vm0, $0xb8;
	[tilespmem:$0x10100] =	vst v63  }
0x2d: {  	_ = 	snop  }
0x2e: {  	[tilespmem:s30], [sflag:$0x1] =	stream.indirect_vreg.gather [hbm4b:s5+s3], $0x80, v3, vm0, $0xb8;
	[tilespmem:$0x10100] =	vst v63  }
0x2f: {  	_ = 	snop  }
0x30: {  	[tilespmem:s31], [sflag:$0x1] =	stream.indirect_vreg.gather [hbm4b:s6+s3], $0x80, v3, vm0, $0xb8;
	[tilespmem:$0x10100] =	vst v63  }
0x31: {  	v3 =	vld [tilespmem:$0x10];
	_ =	sdelay $0x4  }
0x32: {  	v49 =	vshll.u32 v3, $0x3  }
0x33: {  	v3 =	vand.u32 $0x7, v3;
	v4 =	vand.u32 $0xFFFFFFC0, v49  }
0x34: {  	v3 =	vor.u32 v3, v4  }
0x35: {  	v4 =	vperm.xlane v3, v0;
	_ =	sdelay $0x1  }
0x36: {  	v4 =	vadd.s32 v1, v4;
	_ =	sdelay $0x4  }
0x37: {  	[tilespmem:s1], [sflag:$0x1] =	stream.indirect_vreg.gather [hbm4b:s2+s3], $0x80, v4, vm0, $0xb8;
	[tilespmem:$0x10100] =	vst v63  }
0x38: {  	v3 =	vperm.xlane v3, v2  }
0x39: {  	[tilespmem:s17], [sflag:$0x1] =	stream.indirect_vreg.gather [hbm4b:s4+s3], $0x80, v4, vm0, $0xb8;
	[tilespmem:$0x10100] =	vst v63  }
0x3a: {  	v3 =	vadd.s32 v1, v3  }
0x3b: {  	[tilespmem:s10], [sflag:$0x1] =	stream.indirect_vreg.gather [hbm4b:s5+s3], $0x80, v4, vm0, $0xb8;
	[tilespmem:$0x10100] =	vst v63  }
0x3c: {  	_ = 	snop  }
0x3d: {  	[tilespmem:s11], [sflag:$0x1] =	stream.indirect_vreg.gather [hbm4b:s6+s3], $0x80, v4, vm0, $0xb8;
	[tilespmem:$0x10100] =	vst v63  }
0x3e: {  	_ = 	snop  }
0x3f: {  	[tilespmem:s12], [sflag:$0x1] =	stream.indirect_vreg.gather [hbm4b:s2+s3], $0x80, v3, vm0, $0xb8;
	[tilespmem:$0x10100] =	vst v63  }
0x40: {  	_ = 	snop  }
0x41: {  	[tilespmem:s13], [sflag:$0x1] =	stream.indirect_vreg.gather [hbm4b:s4+s3], $0x80, v3, vm0, $0xb8;
	[tilespmem:$0x10100] =	vst v63  }
0x42: {  	_ = 	snop  }
0x43: {  	[tilespmem:s14], [sflag:$0x1] =	stream.indirect_vreg.gather [hbm4b:s5+s3], $0x80, v3, vm0, $0xb8;
	[tilespmem:$0x10100] =	vst v63  }
0x44: {  	_ = 	snop  }
0x45: {  	[tilespmem:s15], [sflag:$0x1] =	stream.indirect_vreg.gather [hbm4b:s6+s3], $0x80, v3, vm0, $0xb8;
	[tilespmem:$0x10100] =	vst v63  }
0x46: {  	v3 =	vld [tilespmem:$0x20];
	_ =	sdelay $0x4  }
0x47: {  	v50 =	vshll.u32 v3, $0x3  }
0x48: {  	v3 =	vand.u32 $0x7, v3;
	v4 =	vand.u32 $0xFFFFFFC0, v50  }
0x49: {  	v3 =	vor.u32 v3, v4  }
0x4a: {  	v4 =	vperm.xlane v3, v0;
	_ =	sdelay $0x1  }
0x4b: {  	v4 =	vadd.s32 v1, v4;
	_ =	sdelay $0x4  }
0x4c: {  	[tilespmem:s25], [sflag:$0x2] =	stream.indirect_vreg.gather [hbm4b:s2+s3], $0x80, v4, vm0, $0xb8;
	[tilespmem:$0x10100] =	vst v63  }
0x4d: {  	s16 =	simm.s32 $0x8900;
	v3 =	vperm.xlane v3, v2  }
0x4e: {  	[tilespmem:s16], [sflag:$0x2] =	stream.indirect_vreg.gather [hbm4b:s4+s3], $0x80, v4, vm0, $0xb8;
	[tilespmem:$0x10100] =	vst v63  }
0x4f: {  	s0 =	simm.s32 $0x9100;
	v3 =	vadd.s32 v1, v3  }
0x50: {  	[tilespmem:s0], [sflag:$0x2] =	stream.indirect_vreg.gather [hbm4b:s5+s3], $0x80, v4, vm0, $0xb8;
	[tilespmem:$0x10100] =	vst v63  }
0x51: {  	s16 =	simm.s32 $0x9900  }
0x52: {  	[tilespmem:s16], [sflag:$0x2] =	stream.indirect_vreg.gather [hbm4b:s6+s3], $0x80, v4, vm0, $0xb8;
	[tilespmem:$0x10100] =	vst v63  }
0x53: {  	s0 =	simm.s32 $0xA100  }
0x54: {  	[tilespmem:s0], [sflag:$0x2] =	stream.indirect_vreg.gather [hbm4b:s2+s3], $0x80, v3, vm0, $0xb8;
	[tilespmem:$0x10100] =	vst v63  }
0x55: {  	s16 =	simm.s32 $0xA900  }
0x56: {  	[tilespmem:s16], [sflag:$0x2] =	stream.indirect_vreg.gather [hbm4b:s4+s3], $0x80, v3, vm0, $0xb8;
	[tilespmem:$0x10100] =	vst v63  }
0x57: {  	s0 =	simm.s32 $0xB100  }
0x58: {  	[tilespmem:s0], [sflag:$0x2] =	stream.indirect_vreg.gather [hbm4b:s5+s3], $0x80, v3, vm0, $0xb8;
	[tilespmem:$0x10100] =	vst v63  }
0x59: {  	s16 =	simm.s32 $0xB900  }
0x5a: {  	[tilespmem:s16], [sflag:$0x2] =	stream.indirect_vreg.gather [hbm4b:s6+s3], $0x80, v3, vm0, $0xb8;
	[tilespmem:$0x10100] =	vst v63  }
0x5b: {  	v3 =	vld [tilespmem:$0x30];
	_ =	sdelay $0x4  }
0x5c: {  	v51 =	vshll.u32 v3, $0x3  }
0x5d: {  	v3 =	vand.u32 $0x7, v3;
	v4 =	vand.u32 $0xFFFFFFC0, v51  }
0x5e: {  	v3 =	vor.u32 v3, v4  }
0x5f: {  	v4 =	vperm.xlane v3, v0;
	_ =	sdelay $0x1  }
0x60: {  	v4 =	vadd.s32 v1, v4;
	_ =	sdelay $0x3  }
0x61: {  	s0 =	simm.s32 $0xC100  }
0x62: {  	[tilespmem:s0], [sflag:$0x2] =	stream.indirect_vreg.gather [hbm4b:s2+s3], $0x80, v4, vm0, $0xb8;
	[tilespmem:$0x10100] =	vst v63  }
0x63: {  	v3 =	vperm.xlane v3, v2;
	s0 =	simm.s32 $0xC900  }
0x64: {  	[tilespmem:s0], [sflag:$0x2] =	stream.indirect_vreg.gather [hbm4b:s4+s3], $0x80, v4, vm0, $0xb8;
	[tilespmem:$0x10100] =	vst v63  }
0x65: {  	v3 =	vadd.s32 v1, v3;
	s0 =	simm.s32 $0xD100  }
0x66: {  	[tilespmem:s0], [sflag:$0x2] =	stream.indirect_vreg.gather [hbm4b:s5+s3], $0x80, v4, vm0, $0xb8;
	[tilespmem:$0x10100] =	vst v63  }
0x67: {  	s0 =	simm.s32 $0xD900  }
0x68: {  	[tilespmem:s0], [sflag:$0x2] =	stream.indirect_vreg.gather [hbm4b:s6+s3], $0x80, v4, vm0, $0xb8;
	[tilespmem:$0x10100] =	vst v63  }
0x69: {  	s0 =	simm.s32 $0xE100  }
0x6a: {  	[tilespmem:s0], [sflag:$0x2] =	stream.indirect_vreg.gather [hbm4b:s2+s3], $0x80, v3, vm0, $0xb8;
	[tilespmem:$0x10100] =	vst v63  }
0x6b: {  	s0 =	simm.s32 $0xE900  }
0x6c: {  	[tilespmem:s0], [sflag:$0x2] =	stream.indirect_vreg.gather [hbm4b:s4+s3], $0x80, v3, vm0, $0xb8;
	[tilespmem:$0x10100] =	vst v63  }
0x6d: {  	s0 =	simm.s32 $0xF100  }
0x6e: {  	[tilespmem:s0], [sflag:$0x2] =	stream.indirect_vreg.gather [hbm4b:s5+s3], $0x80, v3, vm0, $0xb8;
	[tilespmem:$0x10100] =	vst v63  }
0x6f: {  	s0 =	simm.s32 $0xF900  }
0x70: {  	[tilespmem:s0], [sflag:$0x2] =	stream.indirect_vreg.gather [hbm4b:s6+s3], $0x80, v3, vm0, $0xb8;
	[tilespmem:$0x10100] =	vst v63  }
0x71: {  	_ =	swait.ge [sflag:s18], $0x8000  }
0x72: {  	[sflag:s18] =	ssyncset.done $0x0  }
0x73: {  	s0 =	rddreg [dreg:$0x5];
	[sflag:s18] =	ssyncadd.s32 $0xFFFF8000  }
0x74: {  	[hbm4b:s0+s19] =	stream.strided.scatter [tilespmem:s9], [sflag:$0x3], $0x8000, s20, s19, $0x38;
	[tilespmem:$0x10100] =	vst v63  }
0x75: {  	_ =	swait.ge [sflag:s8], $0x8000  }
0x76: {  	[sflag:s8] =	ssyncset.done $0x0  }
0x77: {  	[sflag:s8] =	ssyncadd.s32 $0xFFFF8000  }
0x78: {  	v3 =	vld [tilespmem:$0x40];
	_ =	sdelay $0x4  }
0x79: {  	v52 =	vshll.u32 v3, $0x3  }
0x7a: {  	v3 =	vand.u32 $0x7, v3;
	v4 =	vand.u32 $0xFFFFFFC0, v52  }
0x7b: {  	v3 =	vor.u32 v3, v4  }
0x7c: {  	v4 =	vperm.xlane v3, v0;
	_ =	sdelay $0x1  }
0x7d: {  	v4 =	vadd.s32 v1, v4;
	_ =	sdelay $0x4  }
0x7e: {  	[tilespmem:s9], [sflag:$0x1] =	stream.indirect_vreg.gather [hbm4b:s2+s3], $0x80, v4, vm0, $0xb8;
	[tilespmem:$0x10100] =	vst v63  }
0x7f: {  	v3 =	vperm.xlane v3, v2  }
0x80: {  	[tilespmem:s23], [sflag:$0x1] =	stream.indirect_vreg.gather [hbm4b:s4+s3], $0x80, v4, vm0, $0xb8;
	[tilespmem:$0x10100] =	vst v63  }
0x81: {  	v3 =	vadd.s32 v1, v3  }
0x82: {  	[tilespmem:s24], [sflag:$0x1] =	stream.indirect_vreg.gather [hbm4b:s5+s3], $0x80, v4, vm0, $0xb8;
	[tilespmem:$0x10100] =	vst v63  }
0x83: {  	_ = 	snop  }
0x84: {  	[tilespmem:s26], [sflag:$0x1] =	stream.indirect_vreg.gather [hbm4b:s6+s3], $0x80, v4, vm0, $0xb8;
	[tilespmem:$0x10100] =	vst v63  }
0x85: {  	_ = 	snop  }
0x86: {  	[tilespmem:s28], [sflag:$0x1] =	stream.indirect_vreg.gather [hbm4b:s2+s3], $0x80, v3, vm0, $0xb8;
	[tilespmem:$0x10100] =	vst v63  }
0x87: {  	_ = 	snop  }
0x88: {  	[tilespmem:s29], [sflag:$0x1] =	stream.indirect_vreg.gather [hbm4b:s4+s3], $0x80, v3, vm0, $0xb8;
	[tilespmem:$0x10100] =	vst v63  }
0x89: {  	_ = 	snop  }
0x8a: {  	[tilespmem:s30], [sflag:$0x1] =	stream.indirect_vreg.gather [hbm4b:s5+s3], $0x80, v3, vm0, $0xb8;
	[tilespmem:$0x10100] =	vst v63  }
0x8b: {  	_ = 	snop  }
0x8c: {  	[tilespmem:s31], [sflag:$0x1] =	stream.indirect_vreg.gather [hbm4b:s6+s3], $0x80, v3, vm0, $0xb8;
	[tilespmem:$0x10100] =	vst v63  }
0x8d: {  	v3 =	vld [tilespmem:$0x50];
	_ =	sdelay $0x4  }
0x8e: {  	v53 =	vshll.u32 v3, $0x3  }
0x8f: {  	v3 =	vand.u32 $0x7, v3;
	v4 =	vand.u32 $0xFFFFFFC0, v53  }
0x90: {  	v3 =	vor.u32 v3, v4  }
0x91: {  	v4 =	vperm.xlane v3, v0;
	_ =	sdelay $0x1  }
0x92: {  	v4 =	vadd.s32 v1, v4;
	_ =	sdelay $0x4  }
0x93: {  	[tilespmem:s1], [sflag:$0x1] =	stream.indirect_vreg.gather [hbm4b:s2+s3], $0x80, v4, vm0, $0xb8;
	[tilespmem:$0x10100] =	vst v63  }
0x94: {  	v3 =	vperm.xlane v3, v2  }
0x95: {  	[tilespmem:s17], [sflag:$0x1] =	stream.indirect_vreg.gather [hbm4b:s4+s3], $0x80, v4, vm0, $0xb8;
	[tilespmem:$0x10100] =	vst v63  }
0x96: {  	v3 =	vadd.s32 v1, v3  }
0x97: {  	[tilespmem:s10], [sflag:$0x1] =	stream.indirect_vreg.gather [hbm4b:s5+s3], $0x80, v4, vm0, $0xb8;
	[tilespmem:$0x10100] =	vst v63  }
0x98: {  	_ = 	snop  }
0x99: {  	[tilespmem:s11], [sflag:$0x1] =	stream.indirect_vreg.gather [hbm4b:s6+s3], $0x80, v4, vm0, $0xb8;
	[tilespmem:$0x10100] =	vst v63  }
0x9a: {  	_ = 	snop  }
0x9b: {  	[tilespmem:s12], [sflag:$0x1] =	stream.indirect_vreg.gather [hbm4b:s2+s3], $0x80, v3, vm0, $0xb8;
	[tilespmem:$0x10100] =	vst v63  }
0x9c: {  	_ = 	snop  }
0x9d: {  	[tilespmem:s13], [sflag:$0x1] =	stream.indirect_vreg.gather [hbm4b:s4+s3], $0x80, v3, vm0, $0xb8;
	[tilespmem:$0x10100] =	vst v63  }
0x9e: {  	_ = 	snop  }
0x9f: {  	[tilespmem:s14], [sflag:$0x1] =	stream.indirect_vreg.gather [hbm4b:s5+s3], $0x80, v3, vm0, $0xb8;
	[tilespmem:$0x10100] =	vst v63  }
0xa0: {  	_ = 	snop  }
0xa1: {  	[tilespmem:s15], [sflag:$0x1] =	stream.indirect_vreg.gather [hbm4b:s6+s3], $0x80, v3, vm0, $0xb8;
	[tilespmem:$0x10100] =	vst v63  }
0xa2: {  	_ =	swait.ge [sflag:s21], $0x8000  }
0xa3: {  	[sflag:s21] =	ssyncset.done $0x0  }
0xa4: {  	s0 =	rddreg [dreg:$0x6];
	[sflag:s21] =	ssyncadd.s32 $0xFFFF8000  }
0xa5: {  	[hbm4b:s0+s19] =	stream.strided.scatter [tilespmem:s25], [sflag:$0x3], $0x8000, s20, s19, $0x38;
	[tilespmem:$0x10100] =	vst v63  }
0xa6: {  	_ =	swait.ge [sflag:s8], $0x8000  }
0xa7: {  	[sflag:s8] =	ssyncset.done $0x0  }
0xa8: {  	[sflag:s8] =	ssyncadd.s32 $0xFFFF8000  }
0xa9: {  	v3 =	vld [tilespmem:$0x60];
	_ =	sdelay $0x4  }
0xaa: {  	v54 =	vshll.u32 v3, $0x3  }
0xab: {  	v3 =	vand.u32 $0x7, v3;
	v4 =	vand.u32 $0xFFFFFFC0, v54  }
0xac: {  	v3 =	vor.u32 v3, v4  }
0xad: {  	v4 =	vperm.xlane v3, v0;
	_ =	sdelay $0x1  }
0xae: {  	v4 =	vadd.s32 v1, v4;
	_ =	sdelay $0x4  }
0xaf: {  	[tilespmem:s25], [sflag:$0x2] =	stream.indirect_vreg.gather [hbm4b:s2+s3], $0x80, v4, vm0, $0xb8;
	[tilespmem:$0x10100] =	vst v63  }
0xb0: {  	s0 =	simm.s32 $0x8900;
	v3 =	vperm.xlane v3, v2  }
0xb1: {  	[tilespmem:s0], [sflag:$0x2] =	stream.indirect_vreg.gather [hbm4b:s4+s3], $0x80, v4, vm0, $0xb8;
	[tilespmem:$0x10100] =	vst v63  }
0xb2: {  	s22 =	simm.s32 $0x9100;
	v3 =	vadd.s32 v1, v3  }
0xb3: {  	[tilespmem:s22], [sflag:$0x2] =	stream.indirect_vreg.gather [hbm4b:s5+s3], $0x80, v4, vm0, $0xb8;
	[tilespmem:$0x10100] =	vst v63  }
0xb4: {  	s22 =	simm.s32 $0x9900  }
0xb5: {  	[tilespmem:s22], [sflag:$0x2] =	stream.indirect_vreg.gather [hbm4b:s6+s3], $0x80, v4, vm0, $0xb8;
	[tilespmem:$0x10100] =	vst v63  }
0xb6: {  	s22 =	simm.s32 $0xA100  }
0xb7: {  	[tilespmem:s22], [sflag:$0x2] =	stream.indirect_vreg.gather [hbm4b:s2+s3], $0x80, v3, vm0, $0xb8;
	[tilespmem:$0x10100] =	vst v63  }
0xb8: {  	s22 =	simm.s32 $0xA900  }
0xb9: {  	[tilespmem:s22], [sflag:$0x2] =	stream.indirect_vreg.gather [hbm4b:s4+s3], $0x80, v3, vm0, $0xb8;
	[tilespmem:$0x10100] =	vst v63  }
0xba: {  	s22 =	simm.s32 $0xB100  }
0xbb: {  	[tilespmem:s22], [sflag:$0x2] =	stream.indirect_vreg.gather [hbm4b:s5+s3], $0x80, v3, vm0, $0xb8;
	[tilespmem:$0x10100] =	vst v63  }
0xbc: {  	s16 =	simm.s32 $0xB900  }
0xbd: {  	[tilespmem:s16], [sflag:$0x2] =	stream.indirect_vreg.gather [hbm4b:s6+s3], $0x80, v3, vm0, $0xb8;
	[tilespmem:$0x10100] =	vst v63  }
0xbe: {  	v3 =	vld [tilespmem:$0x70];
	_ =	sdelay $0x4  }
0xbf: {  	v55 =	vshll.u32 v3, $0x3  }
0xc0: {  	v3 =	vand.u32 $0x7, v3;
	v4 =	vand.u32 $0xFFFFFFC0, v55  }
0xc1: {  	v3 =	vor.u32 v3, v4  }
0xc2: {  	v4 =	vperm.xlane v3, v0;
	_ =	sdelay $0x1  }
0xc3: {  	v4 =	vadd.s32 v1, v4;
	_ =	sdelay $0x3  }
0xc4: {  	s22 =	simm.s32 $0xC100  }
0xc5: {  	[tilespmem:s22], [sflag:$0x2] =	stream.indirect_vreg.gather [hbm4b:s2+s3], $0x80, v4, vm0, $0xb8;
	[tilespmem:$0x10100] =	vst v63  }
0xc6: {  	v3 =	vperm.xlane v3, v2;
	s22 =	simm.s32 $0xC900  }
0xc7: {  	[tilespmem:s22], [sflag:$0x2] =	stream.indirect_vreg.gather [hbm4b:s4+s3], $0x80, v4, vm0, $0xb8;
	[tilespmem:$0x10100] =	vst v63  }
0xc8: {  	v3 =	vadd.s32 v1, v3;
	s22 =	simm.s32 $0xD100  }
0xc9: {  	[tilespmem:s22], [sflag:$0x2] =	stream.indirect_vreg.gather [hbm4b:s5+s3], $0x80, v4, vm0, $0xb8;
	[tilespmem:$0x10100] =	vst v63  }
0xca: {  	s22 =	simm.s32 $0xD900  }
0xcb: {  	[tilespmem:s22], [sflag:$0x2] =	stream.indirect_vreg.gather [hbm4b:s6+s3], $0x80, v4, vm0, $0xb8;
	[tilespmem:$0x10100] =	vst v63  }
0xcc: {  	s22 =	simm.s32 $0xE100  }
0xcd: {  	[tilespmem:s22], [sflag:$0x2] =	stream.indirect_vreg.gather [hbm4b:s2+s3], $0x80, v3, vm0, $0xb8;
	[tilespmem:$0x10100] =	vst v63  }
0xce: {  	s22 =	simm.s32 $0xE900  }
0xcf: {  	[tilespmem:s22], [sflag:$0x2] =	stream.indirect_vreg.gather [hbm4b:s4+s3], $0x80, v3, vm0, $0xb8;
	[tilespmem:$0x10100] =	vst v63  }
0xd0: {  	s22 =	simm.s32 $0xF100  }
0xd1: {  	[tilespmem:s22], [sflag:$0x2] =	stream.indirect_vreg.gather [hbm4b:s5+s3], $0x80, v3, vm0, $0xb8;
	[tilespmem:$0x10100] =	vst v63  }
0xd2: {  	s22 =	simm.s32 $0xF900  }
0xd3: {  	[tilespmem:s22], [sflag:$0x2] =	stream.indirect_vreg.gather [hbm4b:s6+s3], $0x80, v3, vm0, $0xb8;
	[tilespmem:$0x10100] =	vst v63  }
0xd4: {  	_ =	swait.ge [sflag:s18], $0x8000  }
0xd5: {  	[sflag:s18] =	ssyncset.done $0x0  }
0xd6: {  	s16 =	rddreg [dreg:$0x7];
	[sflag:s18] =	ssyncadd.s32 $0xFFFF8000  }
0xd7: {  	[hbm4b:s16+s19] =	stream.strided.scatter [tilespmem:s9], [sflag:$0x3], $0x8000, s20, s19, $0x38;
	[tilespmem:$0x10100] =	vst v63  }
0xd8: {  	_ =	swait.ge [sflag:s8], $0x8000  }
0xd9: {  	[sflag:s8] =	ssyncset.done $0x0  }
0xda: {  	[sflag:s8] =	ssyncadd.s32 $0xFFFF8000  }
0xdb: {  	v3 =	vld [tilespmem:$0x80];
	_ =	sdelay $0x4  }
0xdc: {  	v56 =	vshll.u32 v3, $0x3  }
0xdd: {  	v3 =	vand.u32 $0x7, v3;
	v4 =	vand.u32 $0xFFFFFFC0, v56  }
0xde: {  	v3 =	vor.u32 v3, v4  }
0xdf: {  	v4 =	vperm.xlane v3, v0;
	_ =	sdelay $0x1  }
0xe0: {  	v4 =	vadd.s32 v1, v4;
	_ =	sdelay $0x4  }
0xe1: {  	[tilespmem:s9], [sflag:$0x1] =	stream.indirect_vreg.gather [hbm4b:s2+s3], $0x80, v4, vm0, $0xb8;
	[tilespmem:$0x10100] =	vst v63  }
0xe2: {  	v3 =	vperm.xlane v3, v2  }
0xe3: {  	[tilespmem:s23], [sflag:$0x1] =	stream.indirect_vreg.gather [hbm4b:s4+s3], $0x80, v4, vm0, $0xb8;
	[tilespmem:$0x10100] =	vst v63  }
0xe4: {  	v3 =	vadd.s32 v1, v3  }
0xe5: {  	[tilespmem:s24], [sflag:$0x1] =	stream.indirect_vreg.gather [hbm4b:s5+s3], $0x80, v4, vm0, $0xb8;
	[tilespmem:$0x10100] =	vst v63  }
0xe6: {  	_ = 	snop  }
0xe7: {  	[tilespmem:s26], [sflag:$0x1] =	stream.indirect_vreg.gather [hbm4b:s6+s3], $0x80, v4, vm0, $0xb8;
	[tilespmem:$0x10100] =	vst v63  }
0xe8: {  	_ = 	snop  }
0xe9: {  	[tilespmem:s28], [sflag:$0x1] =	stream.indirect_vreg.gather [hbm4b:s2+s3], $0x80, v3, vm0, $0xb8;
	[tilespmem:$0x10100] =	vst v63  }
0xea: {  	_ = 	snop  }
0xeb: {  	[tilespmem:s29], [sflag:$0x1] =	stream.indirect_vreg.gather [hbm4b:s4+s3], $0x80, v3, vm0, $0xb8;
	[tilespmem:$0x10100] =	vst v63  }
0xec: {  	_ = 	snop  }
0xed: {  	[tilespmem:s30], [sflag:$0x1] =	stream.indirect_vreg.gather [hbm4b:s5+s3], $0x80, v3, vm0, $0xb8;
	[tilespmem:$0x10100] =	vst v63  }
0xee: {  	_ = 	snop  }
0xef: {  	[tilespmem:s31], [sflag:$0x1] =	stream.indirect_vreg.gather [hbm4b:s6+s3], $0x80, v3, vm0, $0xb8;
	[tilespmem:$0x10100] =	vst v63  }
0xf0: {  	v3 =	vld [tilespmem:$0x90];
	_ =	sdelay $0x4  }
0xf1: {  	v57 =	vshll.u32 v3, $0x3  }
0xf2: {  	v3 =	vand.u32 $0x7, v3;
	v4 =	vand.u32 $0xFFFFFFC0, v57  }
0xf3: {  	v3 =	vor.u32 v3, v4  }
0xf4: {  	v4 =	vperm.xlane v3, v0;
	_ =	sdelay $0x1  }
0xf5: {  	v4 =	vadd.s32 v1, v4;
	_ =	sdelay $0x4  }
0xf6: {  	[tilespmem:s1], [sflag:$0x1] =	stream.indirect_vreg.gather [hbm4b:s2+s3], $0x80, v4, vm0, $0xb8;
	[tilespmem:$0x10100] =	vst v63  }
0xf7: {  	v3 =	vperm.xlane v3, v2  }
0xf8: {  	[tilespmem:s17], [sflag:$0x1] =	stream.indirect_vreg.gather [hbm4b:s4+s3], $0x80, v4, vm0, $0xb8;
	[tilespmem:$0x10100] =	vst v63  }
0xf9: {  	v3 =	vadd.s32 v1, v3  }
0xfa: {  	[tilespmem:s10], [sflag:$0x1] =	stream.indirect_vreg.gather [hbm4b:s5+s3], $0x80, v4, vm0, $0xb8;
	[tilespmem:$0x10100] =	vst v63  }
0xfb: {  	_ = 	snop  }
0xfc: {  	[tilespmem:s11], [sflag:$0x1] =	stream.indirect_vreg.gather [hbm4b:s6+s3], $0x80, v4, vm0, $0xb8;
	[tilespmem:$0x10100] =	vst v63  }
0xfd: {  	_ = 	snop  }
0xfe: {  	[tilespmem:s12], [sflag:$0x1] =	stream.indirect_vreg.gather [hbm4b:s2+s3], $0x80, v3, vm0, $0xb8;
	[tilespmem:$0x10100] =	vst v63  }
0xff: {  	_ = 	snop  }
0x100: {  	[tilespmem:s13], [sflag:$0x1] =	stream.indirect_vreg.gather [hbm4b:s4+s3], $0x80, v3, vm0, $0xb8;
	[tilespmem:$0x10100] =	vst v63  }
0x101: {  	_ = 	snop  }
0x102: {  	[tilespmem:s14], [sflag:$0x1] =	stream.indirect_vreg.gather [hbm4b:s5+s3], $0x80, v3, vm0, $0xb8;
	[tilespmem:$0x10100] =	vst v63  }
0x103: {  	_ = 	snop  }
0x104: {  	[tilespmem:s15], [sflag:$0x1] =	stream.indirect_vreg.gather [hbm4b:s6+s3], $0x80, v3, vm0, $0xb8;
	[tilespmem:$0x10100] =	vst v63  }
0x105: {  	_ =	swait.ge [sflag:s21], $0x8000  }
0x106: {  	[sflag:s21] =	ssyncset.done $0x0  }
0x107: {  	s16 =	rddreg [dreg:$0x8];
	[sflag:s21] =	ssyncadd.s32 $0xFFFF8000  }
0x108: {  	[hbm4b:s16+s19] =	stream.strided.scatter [tilespmem:s25], [sflag:$0x3], $0x8000, s20, s19, $0x38;
	[tilespmem:$0x10100] =	vst v63  }
0x109: {  	_ =	swait.ge [sflag:s8], $0x8000  }
0x10a: {  	[sflag:s8] =	ssyncset.done $0x0  }
0x10b: {  	[sflag:s8] =	ssyncadd.s32 $0xFFFF8000  }
0x10c: {  	v3 =	vld [tilespmem:$0xA0];
	_ =	sdelay $0x4  }
0x10d: {  	v58 =	vshll.u32 v3, $0x3  }
0x10e: {  	v3 =	vand.u32 $0x7, v3;
	v4 =	vand.u32 $0xFFFFFFC0, v58  }
0x10f: {  	v3 =	vor.u32 v3, v4  }
0x110: {  	v4 =	vperm.xlane v3, v0;
	_ =	sdelay $0x1  }
0x111: {  	v4 =	vadd.s32 v1, v4;
	_ =	sdelay $0x4  }
0x112: {  	[tilespmem:s25], [sflag:$0x2] =	stream.indirect_vreg.gather [hbm4b:s2+s3], $0x80, v4, vm0, $0xb8;
	[tilespmem:$0x10100] =	vst v63  }
0x113: {  	v3 =	vperm.xlane v3, v2  }
0x114: {  	[tilespmem:s0], [sflag:$0x2] =	stream.indirect_vreg.gather [hbm4b:s4+s3], $0x80, v4, vm0, $0xb8;
	[tilespmem:$0x10100] =	vst v63  }
0x115: {  	s22 =	simm.s32 $0x9100;
	v3 =	vadd.s32 v1, v3  }
0x116: {  	[tilespmem:s22], [sflag:$0x2] =	stream.indirect_vreg.gather [hbm4b:s5+s3], $0x80, v4, vm0, $0xb8;
	[tilespmem:$0x10100] =	vst v63  }
0x117: {  	s22 =	simm.s32 $0x9900  }
0x118: {  	[tilespmem:s22], [sflag:$0x2] =	stream.indirect_vreg.gather [hbm4b:s6+s3], $0x80, v4, vm0, $0xb8;
	[tilespmem:$0x10100] =	vst v63  }
0x119: {  	s22 =	simm.s32 $0xA100  }
0x11a: {  	[tilespmem:s22], [sflag:$0x2] =	stream.indirect_vreg.gather [hbm4b:s2+s3], $0x80, v3, vm0, $0xb8;
	[tilespmem:$0x10100] =	vst v63  }
0x11b: {  	s22 =	simm.s32 $0xA900  }
0x11c: {  	[tilespmem:s22], [sflag:$0x2] =	stream.indirect_vreg.gather [hbm4b:s4+s3], $0x80, v3, vm0, $0xb8;
	[tilespmem:$0x10100] =	vst v63  }
0x11d: {  	s22 =	simm.s32 $0xB100  }
0x11e: {  	[tilespmem:s22], [sflag:$0x2] =	stream.indirect_vreg.gather [hbm4b:s5+s3], $0x80, v3, vm0, $0xb8;
	[tilespmem:$0x10100] =	vst v63  }
0x11f: {  	s22 =	simm.s32 $0xB900  }
0x120: {  	[tilespmem:s22], [sflag:$0x2] =	stream.indirect_vreg.gather [hbm4b:s6+s3], $0x80, v3, vm0, $0xb8;
	[tilespmem:$0x10100] =	vst v63  }
0x121: {  	v3 =	vld [tilespmem:$0xB0];
	_ =	sdelay $0x4  }
0x122: {  	v59 =	vshll.u32 v3, $0x3  }
0x123: {  	v3 =	vand.u32 $0x7, v3;
	v4 =	vand.u32 $0xFFFFFFC0, v59  }
0x124: {  	v3 =	vor.u32 v3, v4  }
0x125: {  	v4 =	vperm.xlane v3, v0;
	_ =	sdelay $0x1  }
0x126: {  	v4 =	vadd.s32 v1, v4;
	_ =	sdelay $0x3  }
0x127: {  	s22 =	simm.s32 $0xC100  }
0x128: {  	[tilespmem:s22], [sflag:$0x2] =	stream.indirect_vreg.gather [hbm4b:s2+s3], $0x80, v4, vm0, $0xb8;
	[tilespmem:$0x10100] =	vst v63  }
0x129: {  	v3 =	vperm.xlane v3, v2;
	s22 =	simm.s32 $0xC900  }
0x12a: {  	[tilespmem:s22], [sflag:$0x2] =	stream.indirect_vreg.gather [hbm4b:s4+s3], $0x80, v4, vm0, $0xb8;
	[tilespmem:$0x10100] =	vst v63  }
0x12b: {  	v3 =	vadd.s32 v1, v3;
	s22 =	simm.s32 $0xD100  }
0x12c: {  	[tilespmem:s22], [sflag:$0x2] =	stream.indirect_vreg.gather [hbm4b:s5+s3], $0x80, v4, vm0, $0xb8;
	[tilespmem:$0x10100] =	vst v63  }
0x12d: {  	s22 =	simm.s32 $0xD900  }
0x12e: {  	[tilespmem:s22], [sflag:$0x2] =	stream.indirect_vreg.gather [hbm4b:s6+s3], $0x80, v4, vm0, $0xb8;
	[tilespmem:$0x10100] =	vst v63  }
0x12f: {  	s22 =	simm.s32 $0xE100  }
0x130: {  	[tilespmem:s22], [sflag:$0x2] =	stream.indirect_vreg.gather [hbm4b:s2+s3], $0x80, v3, vm0, $0xb8;
	[tilespmem:$0x10100] =	vst v63  }
0x131: {  	s22 =	simm.s32 $0xE900  }
0x132: {  	[tilespmem:s22], [sflag:$0x2] =	stream.indirect_vreg.gather [hbm4b:s4+s3], $0x80, v3, vm0, $0xb8;
	[tilespmem:$0x10100] =	vst v63  }
0x133: {  	s22 =	simm.s32 $0xF100  }
0x134: {  	[tilespmem:s22], [sflag:$0x2] =	stream.indirect_vreg.gather [hbm4b:s5+s3], $0x80, v3, vm0, $0xb8;
	[tilespmem:$0x10100] =	vst v63  }
0x135: {  	s22 =	simm.s32 $0xF900  }
0x136: {  	[tilespmem:s22], [sflag:$0x2] =	stream.indirect_vreg.gather [hbm4b:s6+s3], $0x80, v3, vm0, $0xb8;
	[tilespmem:$0x10100] =	vst v63  }
0x137: {  	_ =	swait.ge [sflag:s18], $0x8000  }
0x138: {  	[sflag:s18] =	ssyncset.done $0x0  }
0x139: {  	s22 =	rddreg [dreg:$0x9];
	[sflag:s18] =	ssyncadd.s32 $0xFFFF8000  }
0x13a: {  	[hbm4b:s22+s19] =	stream.strided.scatter [tilespmem:s9], [sflag:$0x3], $0x8000, s20, s19, $0x38;
	[tilespmem:$0x10100] =	vst v63  }
0x13b: {  	_ =	swait.ge [sflag:s8], $0x8000  }
0x13c: {  	[sflag:s8] =	ssyncset.done $0x0  }
0x13d: {  	[sflag:s8] =	ssyncadd.s32 $0xFFFF8000  }
0x13e: {  	v3 =	vld [tilespmem:$0xC0];
	_ =	sdelay $0x4  }
0x13f: {  	v60 =	vshll.u32 v3, $0x3  }
0x140: {  	v3 =	vand.u32 $0x7, v3;
	v4 =	vand.u32 $0xFFFFFFC0, v60  }
0x141: {  	v3 =	vor.u32 v3, v4  }
0x142: {  	v4 =	vperm.xlane v3, v0;
	_ =	sdelay $0x1  }
0x143: {  	v4 =	vadd.s32 v1, v4;
	_ =	sdelay $0x4  }
0x144: {  	[tilespmem:s9], [sflag:$0x1] =	stream.indirect_vreg.gather [hbm4b:s2+s3], $0x80, v4, vm0, $0xb8;
	[tilespmem:$0x10100] =	vst v63  }
0x145: {  	v3 =	vperm.xlane v3, v2  }
0x146: {  	[tilespmem:s23], [sflag:$0x1] =	stream.indirect_vreg.gather [hbm4b:s4+s3], $0x80, v4, vm0, $0xb8;
	[tilespmem:$0x10100] =	vst v63  }
0x147: {  	v3 =	vadd.s32 v1, v3  }
0x148: {  	[tilespmem:s24], [sflag:$0x1] =	stream.indirect_vreg.gather [hbm4b:s5+s3], $0x80, v4, vm0, $0xb8;
	[tilespmem:$0x10100] =	vst v63  }
0x149: {  	_ = 	snop  }
0x14a: {  	[tilespmem:s26], [sflag:$0x1] =	stream.indirect_vreg.gather [hbm4b:s6+s3], $0x80, v4, vm0, $0xb8;
	[tilespmem:$0x10100] =	vst v63  }
0x14b: {  	_ = 	snop  }
0x14c: {  	[tilespmem:s28], [sflag:$0x1] =	stream.indirect_vreg.gather [hbm4b:s2+s3], $0x80, v3, vm0, $0xb8;
	[tilespmem:$0x10100] =	vst v63  }
0x14d: {  	_ = 	snop  }
0x14e: {  	[tilespmem:s29], [sflag:$0x1] =	stream.indirect_vreg.gather [hbm4b:s4+s3], $0x80, v3, vm0, $0xb8;
	[tilespmem:$0x10100] =	vst v63  }
0x14f: {  	_ = 	snop  }
0x150: {  	[tilespmem:s30], [sflag:$0x1] =	stream.indirect_vreg.gather [hbm4b:s5+s3], $0x80, v3, vm0, $0xb8;
	[tilespmem:$0x10100] =	vst v63  }
0x151: {  	_ = 	snop  }
0x152: {  	[tilespmem:s31], [sflag:$0x1] =	stream.indirect_vreg.gather [hbm4b:s6+s3], $0x80, v3, vm0, $0xb8;
	[tilespmem:$0x10100] =	vst v63  }
0x153: {  	v3 =	vld [tilespmem:$0xD0];
	_ =	sdelay $0x4  }
0x154: {  	v61 =	vshll.u32 v3, $0x3  }
0x155: {  	v3 =	vand.u32 $0x7, v3;
	v4 =	vand.u32 $0xFFFFFFC0, v61  }
0x156: {  	v3 =	vor.u32 v3, v4  }
0x157: {  	v4 =	vperm.xlane v3, v0;
	_ =	sdelay $0x1  }
0x158: {  	v4 =	vadd.s32 v1, v4;
	_ =	sdelay $0x4  }
0x159: {  	[tilespmem:s1], [sflag:$0x1] =	stream.indirect_vreg.gather [hbm4b:s2+s3], $0x80, v4, vm0, $0xb8;
	[tilespmem:$0x10100] =	vst v63  }
0x15a: {  	v3 =	vperm.xlane v3, v2  }
0x15b: {  	[tilespmem:s17], [sflag:$0x1] =	stream.indirect_vreg.gather [hbm4b:s4+s3], $0x80, v4, vm0, $0xb8;
	[tilespmem:$0x10100] =	vst v63  }
0x15c: {  	v3 =	vadd.s32 v1, v3  }
0x15d: {  	[tilespmem:s10], [sflag:$0x1] =	stream.indirect_vreg.gather [hbm4b:s5+s3], $0x80, v4, vm0, $0xb8;
	[tilespmem:$0x10100] =	vst v63  }
0x15e: {  	_ = 	snop  }
0x15f: {  	[tilespmem:s11], [sflag:$0x1] =	stream.indirect_vreg.gather [hbm4b:s6+s3], $0x80, v4, vm0, $0xb8;
	[tilespmem:$0x10100] =	vst v63  }
0x160: {  	_ = 	snop  }
0x161: {  	[tilespmem:s12], [sflag:$0x1] =	stream.indirect_vreg.gather [hbm4b:s2+s3], $0x80, v3, vm0, $0xb8;
	[tilespmem:$0x10100] =	vst v63  }
0x162: {  	_ = 	snop  }
0x163: {  	[tilespmem:s13], [sflag:$0x1] =	stream.indirect_vreg.gather [hbm4b:s4+s3], $0x80, v3, vm0, $0xb8;
	[tilespmem:$0x10100] =	vst v63  }
0x164: {  	_ = 	snop  }
0x165: {  	[tilespmem:s14], [sflag:$0x1] =	stream.indirect_vreg.gather [hbm4b:s5+s3], $0x80, v3, vm0, $0xb8;
	[tilespmem:$0x10100] =	vst v63  }
0x166: {  	_ = 	snop  }
0x167: {  	[tilespmem:s15], [sflag:$0x1] =	stream.indirect_vreg.gather [hbm4b:s6+s3], $0x80, v3, vm0, $0xb8;
	[tilespmem:$0x10100] =	vst v63  }
0x168: {  	_ =	swait.ge [sflag:s21], $0x8000  }
0x169: {  	[sflag:s21] =	ssyncset.done $0x0  }
0x16a: {  	s22 =	rddreg [dreg:$0xa];
	[sflag:s21] =	ssyncadd.s32 $0xFFFF8000  }
0x16b: {  	[hbm4b:s22+s19] =	stream.strided.scatter [tilespmem:s25], [sflag:$0x3], $0x8000, s20, s19, $0x38;
	[tilespmem:$0x10100] =	vst v63  }
0x16c: {  	_ =	swait.ge [sflag:s8], $0x8000  }
0x16d: {  	[sflag:s8] =	ssyncset.done $0x0  }
0x16e: {  	[sflag:s8] =	ssyncadd.s32 $0xFFFF8000  }
0x16f: {  	v3 =	vld [tilespmem:$0xE0];
	_ =	sdelay $0x4  }
0x170: {  	v62 =	vshll.u32 v3, $0x3  }
0x171: {  	v3 =	vand.u32 $0x7, v3;
	v4 =	vand.u32 $0xFFFFFFC0, v62  }
0x172: {  	v3 =	vor.u32 v3, v4  }
0x173: {  	v4 =	vperm.xlane v3, v0;
	_ =	sdelay $0x1  }
0x174: {  	v4 =	vadd.s32 v1, v4;
	_ =	sdelay $0x4  }
0x175: {  	[tilespmem:s25], [sflag:$0x2] =	stream.indirect_vreg.gather [hbm4b:s2+s3], $0x80, v4, vm0, $0xb8;
	[tilespmem:$0x10100] =	vst v63  }
0x176: {  	s0 =	simm.s32 $0x8900;
	v3 =	vperm.xlane v3, v2  }
0x177: {  	[tilespmem:s0], [sflag:$0x2] =	stream.indirect_vreg.gather [hbm4b:s4+s3], $0x80, v4, vm0, $0xb8;
	[tilespmem:$0x10100] =	vst v63  }
0x178: {  	s22 =	simm.s32 $0x9100;
	v3 =	vadd.s32 v1, v3  }
0x179: {  	[tilespmem:s22], [sflag:$0x2] =	stream.indirect_vreg.gather [hbm4b:s5+s3], $0x80, v4, vm0, $0xb8;
	[tilespmem:$0x10100] =	vst v63  }
0x17a: {  	s16 =	simm.s32 $0x9900  }
0x17b: {  	[tilespmem:s16], [sflag:$0x2] =	stream.indirect_vreg.gather [hbm4b:s6+s3], $0x80, v4, vm0, $0xb8;
	[tilespmem:$0x10100] =	vst v63  }
0x17c: {  	s16 =	simm.s32 $0xA100  }
0x17d: {  	[tilespmem:s16], [sflag:$0x2] =	stream.indirect_vreg.gather [hbm4b:s2+s3], $0x80, v3, vm0, $0xb8;
	[tilespmem:$0x10100] =	vst v63  }
0x17e: {  	s22 =	simm.s32 $0xA900  }
0x17f: {  	[tilespmem:s22], [sflag:$0x2] =	stream.indirect_vreg.gather [hbm4b:s4+s3], $0x80, v3, vm0, $0xb8;
	[tilespmem:$0x10100] =	vst v63  }
0x180: {  	s16 =	simm.s32 $0xB100  }
0x181: {  	[tilespmem:s16], [sflag:$0x2] =	stream.indirect_vreg.gather [hbm4b:s5+s3], $0x80, v3, vm0, $0xb8;
	[tilespmem:$0x10100] =	vst v63  }
0x182: {  	s22 =	simm.s32 $0xB900  }
0x183: {  	[tilespmem:s22], [sflag:$0x2] =	stream.indirect_vreg.gather [hbm4b:s6+s3], $0x80, v3, vm0, $0xb8;
	[tilespmem:$0x10100] =	vst v63  }
0x184: {  	v3 =	vld [tilespmem:$0xF0];
	_ =	sdelay $0x4  }
0x185: {  	v63 =	vshll.u32 v3, $0x3  }
0x186: {  	v3 =	vand.u32 $0x7, v3;
	v4 =	vand.u32 $0xFFFFFFC0, v63  }
0x187: {  	v3 =	vor.u32 v3, v4  }
0x188: {  	v4 =	vperm.xlane v3, v0;
	_ =	sdelay $0x1  }
0x189: {  	v4 =	vadd.s32 v1, v4;
	_ =	sdelay $0x3  }
0x18a: {  	s16 =	simm.s32 $0xC100  }
0x18b: {  	[tilespmem:s16], [sflag:$0x2] =	stream.indirect_vreg.gather [hbm4b:s2+s3], $0x80, v4, vm0, $0xb8;
	[tilespmem:$0x10100] =	vst v63  }
0x18c: {  	s22 =	simm.s32 $0xC900;
	v3 =	vperm.xlane v3, v2  }
0x18d: {  	[tilespmem:s22], [sflag:$0x2] =	stream.indirect_vreg.gather [hbm4b:s4+s3], $0x80, v4, vm0, $0xb8;
	[tilespmem:$0x10100] =	vst v63  }
0x18e: {  	v3 =	vadd.s32 v1, v3;
	s16 =	simm.s32 $0xD100  }
0x18f: {  	[tilespmem:s16], [sflag:$0x2] =	stream.indirect_vreg.gather [hbm4b:s5+s3], $0x80, v4, vm0, $0xb8;
	[tilespmem:$0x10100] =	vst v63  }
0x190: {  	s22 =	simm.s32 $0xD900  }
0x191: {  	[tilespmem:s22], [sflag:$0x2] =	stream.indirect_vreg.gather [hbm4b:s6+s3], $0x80, v4, vm0, $0xb8;
	[tilespmem:$0x10100] =	vst v63  }
0x192: {  	s16 =	simm.s32 $0xE100  }
0x193: {  	[tilespmem:s16], [sflag:$0x2] =	stream.indirect_vreg.gather [hbm4b:s2+s3], $0x80, v3, vm0, $0xb8;
	[tilespmem:$0x10100] =	vst v63  }
0x194: {  	s22 =	simm.s32 $0xE900  }
0x195: {  	[tilespmem:s22], [sflag:$0x2] =	stream.indirect_vreg.gather [hbm4b:s4+s3], $0x80, v3, vm0, $0xb8;
	[tilespmem:$0x10100] =	vst v63  }
0x196: {  	s16 =	simm.s32 $0xF100  }
0x197: {  	[tilespmem:s16], [sflag:$0x2] =	stream.indirect_vreg.gather [hbm4b:s5+s3], $0x80, v3, vm0, $0xb8;
	[tilespmem:$0x10100] =	vst v63  }
0x198: {  	s22 =	simm.s32 $0xF900  }
0x199: {  	[tilespmem:s22], [sflag:$0x2] =	stream.indirect_vreg.gather [hbm4b:s6+s3], $0x80, v3, vm0, $0xb8;
	[tilespmem:$0x10100] =	vst v63  }
0x19a: {  	_ =	swait.ge [sflag:s18], $0x8000  }
0x19b: {  	[sflag:s18] =	ssyncset.done $0x0  }
0x19c: {  	s0 =	rddreg [dreg:$0xb];
	[sflag:s18] =	ssyncadd.s32 $0xFFFF8000  }
0x19d: {  	[hbm4b:s0+s19] =	stream.strided.scatter [tilespmem:s9], [sflag:$0x3], $0x8000, s20, s19, $0x38;
	[tilespmem:$0x10100] =	vst v63  }
0x19e: {  	_ =	swait.ge [sflag:s8], $0x8000  }
0x19f: {  	[sflag:s8] =	ssyncset.done $0x0  }
0x1a0: {  	[sflag:s8] =	ssyncadd.s32 $0xFFFF8000  }
0x1a1: {  	_ =	swait.ge [sflag:s21], $0x8000  }
0x1a2: {  	p0 =	sne.s32 s7, $0x1;
	[sflag:s21] =	ssyncset.done $0x0  }
.Ltmp0:
0x1a3: {  	s16 =	rddreg [dreg:$0xc];
	[sflag:s21] =	ssyncadd.s32 $0xFFFF8000;
	(pc) =	sbr.rel @p0 .LBB2_1-.Ltmp0, $4  }
0x1a4: {  	[hbm4b:s16+s19] =	stream.strided.scatter [tilespmem:s25], [sflag:$0x3], $0x8000, s20, s19, $0x38;
	[tilespmem:$0x10100] =	vst v63  }
0x1a5: {  	_ =	swait.ge [sflag:s8], $0x8000  }
0x1a6: {  	[sflag:s8] =	ssyncset.done $0x0  }
0x1a7: {  	s7 =	sadd.s32 $0xFFFFFFFF, s7;
	[sflag:s8] =	ssyncadd.s32 $0xFFFF8000  }
0x1a8: {  	_ =	sfence.sel $0x180000  }
0x1a9: {  	[bflag:$0x0] =	sbarrier.arrive $0xFFFF  }
0x1aa: {  	_ =	strace $0x90000047  }
0x1ab: {  	s0 =	stileid.u32;
	[bflag:$0x2] =	sbarrier.arrive $0xFFFF  }
0x1ac: {  	p0 =	sne.s32 s0, $0x0;
	s0 =	rddreg [dreg:$0x3]  }
0x1ad: {  	s0 =	sadd.s32 @!p0 $0x100000, s0  }
0x1ae: {  	[sflag:s0] =	ssyncadd.tile.s32 @!p0 $0x1;
	_ =	shalt  }
.Lfunc_end2:
_tile_overlayer_lowered:
.L_overlay_start_2:
0x1af: {  	(tag) =	ssettag $0x2  }
0x1b0: {  	s0 =	rddreg [dreg:$0x0];
	s2 =	stileid.u32  }
0x1b1: {  	s1 =	rddreg [dreg:$0x1];
	p0 =	sne.s32 s2, $0x0  }
0x1b2: {  	s3 =	rddreg [dreg:$0x2];
	[bflag:$0x3] =	sbarrier.arrive $0xFFFF;
	s2 =	simm.s32 @!p0 $0x1C03  }
0x1b3: {  	[timem:s3], [sflag:s2] =	dma.local @!p0 [hbm:s0], s1  }
0x1b4: {  	s0 =	simm.s32 @!p0 $0x3  }
0x1b5: {  	_ =	swait.ge @!p0 [sflag:s0], s1  }
0x1b6: {  	s1 =	ssub.s32 @!p0 $0x0, s1;
	[sflag:s0] =	ssyncset.done @!p0 $0x0  }
0x1b7: {  	[sflag:s0] =	ssyncadd.s32 @!p0 s1  }
0x1b8: {  	[bflag:$0x3] =	sbarrier.arrive $0xFFFF  }
0x1b9: {  	_ =	shalt  }

</sc_bundles>
